<compile_context>
chip_gen: v7x
topology: tpu7x:2x2x1
jax: 0.10.2.dev20260603
libtpu: 0.0.44.dev20260713+nightly
codegen_flags: <defaults>
</compile_context>

<pallas_src>
import functools

import jax
import jax.numpy as jnp
from jax import lax
from jax.experimental import pallas as pl
from jax.experimental.pallas import tpu as pltpu
from jax.experimental.pallas import tpu_sc as plsc

N = 10000
E = 320000
D = 128
H = 128
O = 10
G = 128

NPAD = 10240
BLK = 1024
NBLK = NPAD // BLK

_call = pl.pallas_call
_PREC = jax.lax.Precision.HIGHEST



def _prep_body(degp_ref, x_ref, w_ref, dinv_ref, hs_ref):
    deg = degp_ref[0] + degp_ref[1] + 1.0
    dinv_b = lax.rsqrt(deg)
    z = jnp.dot(x_ref[...], w_ref[...], preferred_element_type=jnp.float32,
                precision=_PREC)
    dinv_ref[...] = dinv_b
    hs_ref[...] = z * dinv_b


def _prep(degp, x_pad, w):
    return _call(
        _prep_body,
        grid=(NBLK,),
        in_specs=[
            pl.BlockSpec((2, BLK, H), lambda i: (0, i, 0)),
            pl.BlockSpec((BLK, D), lambda i: (i, 0)),
            pl.BlockSpec((D, H), lambda i: (0, 0)),
        ],
        out_specs=[
            pl.BlockSpec((BLK, H), lambda i: (i, 0)),
            pl.BlockSpec((BLK, H), lambda i: (i, 0)),
        ],
        out_shape=[
            jax.ShapeDtypeStruct((NPAD, H), jnp.float32),
            jax.ShapeDtypeStruct((NPAD, H), jnp.float32),
        ],
    )(degp, x_pad, w)


def _layer_body(aggp_ref, hs_ref, dinv_ref, b_ref, w_ref, h_ref, hsn_ref):
    agg = aggp_ref[0] + aggp_ref[1]
    dinv = dinv_ref[...]
    h = jnp.maximum(dinv * (agg + hs_ref[...]) + b_ref[...], 0.0)
    h_ref[...] = h
    z = jnp.dot(h, w_ref[...], preferred_element_type=jnp.float32,
                precision=_PREC)
    hsn_ref[...] = z * dinv


def _layer(aggp, hs, dinv_b, b, w):
    return _call(
        _layer_body,
        grid=(NBLK,),
        in_specs=[
            pl.BlockSpec((2, BLK, H), lambda i: (0, i, 0)),
            pl.BlockSpec((BLK, H), lambda i: (i, 0)),
            pl.BlockSpec((BLK, H), lambda i: (i, 0)),
            pl.BlockSpec((1, H), lambda i: (0, 0)),
            pl.BlockSpec((H, H), lambda i: (0, 0)),
        ],
        out_specs=[
            pl.BlockSpec((BLK, H), lambda i: (i, 0)),
            pl.BlockSpec((BLK, H), lambda i: (i, 0)),
        ],
        out_shape=[
            jax.ShapeDtypeStruct((NPAD, H), jnp.float32),
            jax.ShapeDtypeStruct((NPAD, H), jnp.float32),
        ],
    )(aggp, hs, dinv_b, b, w)


def _final_body(aggp_ref, hs_ref, dinv_ref, b_ref, batch_ref, wf_ref, bf_ref,
                h_ref, pooled_ref, ffn_ref, soft_ref, pacc, cacc):
    i = pl.program_id(0)
    agg = aggp_ref[0] + aggp_ref[1]
    h = jnp.maximum(dinv_ref[...] * (agg + hs_ref[...]) + b_ref[...], 0.0)
    h_ref[...] = h

    @pl.when(i == 0)
    def _():
        pacc[...] = jnp.zeros((G, H), jnp.float32)
        cacc[...] = jnp.zeros((G, H), jnp.float32)

    gid = lax.broadcasted_iota(jnp.int32, (BLK, G), 1).astype(jnp.float32)
    onehot = (batch_ref[...] == gid).astype(jnp.float32)
    cdims = (((0,), (0,)), ((), ()))
    pacc[...] += lax.dot_general(onehot, h, cdims,
                                 preferred_element_type=jnp.float32,
                                 precision=_PREC)
    cacc[...] += lax.dot_general(onehot, jnp.ones((BLK, H), jnp.float32),
                                 cdims, preferred_element_type=jnp.float32,
                                 precision=_PREC)

    @pl.when(i == NBLK - 1)
    def _():
        pooled = pacc[...] / jnp.maximum(cacc[...], 1.0)
        pooled_ref[...] = pooled
        f = jnp.dot(pooled, wf_ref[...], preferred_element_type=jnp.float32,
                    precision=_PREC) + bf_ref[...]
        f = jnp.maximum(f, 0.0)
        ffn_ref[...] = f
        m = jnp.max(f, axis=1, keepdims=True)
        e = jnp.exp(f - m)
        soft_ref[...] = e / jnp.sum(e, axis=1, keepdims=True)


def _final(aggp, hs, dinv_b, b, batch_b, wf, bf):
    return _call(
        _final_body,
        grid=(NBLK,),
        in_specs=[
            pl.BlockSpec((2, BLK, H), lambda i: (0, i, 0)),
            pl.BlockSpec((BLK, H), lambda i: (i, 0)),
            pl.BlockSpec((BLK, H), lambda i: (i, 0)),
            pl.BlockSpec((1, H), lambda i: (0, 0)),
            pl.BlockSpec((BLK, G), lambda i: (i, 0)),
            pl.BlockSpec((H, O), lambda i: (0, 0)),
            pl.BlockSpec((1, O), lambda i: (0, 0)),
        ],
        out_specs=[
            pl.BlockSpec((BLK, H), lambda i: (i, 0)),
            pl.BlockSpec((G, H), lambda i: (0, 0)),
            pl.BlockSpec((G, O), lambda i: (0, 0)),
            pl.BlockSpec((G, O), lambda i: (0, 0)),
        ],
        out_shape=[
            jax.ShapeDtypeStruct((NPAD, H), jnp.float32),
            jax.ShapeDtypeStruct((G, H), jnp.float32),
            jax.ShapeDtypeStruct((G, O), jnp.float32),
            jax.ShapeDtypeStruct((G, O), jnp.float32),
        ],
        scratch_shapes=[
            pltpu.VMEM((G, H), jnp.float32),
            pltpu.VMEM((G, H), jnp.float32),
        ],
    )(aggp, hs, dinv_b, b, batch_b, wf, bf)



NC = 2
NS = 16
ECHUNK = 80
CHPS = 125
EPW = ECHUNK * CHPS
EPAD = NC * NS * EPW
RSTRIPE = NPAD // NS

_sc_mesh = plsc.VectorSubcoreMesh(core_axis_name="c", subcore_axis_name="s")




def _sc_deg_body(dst2_hbm, zeros_hbm, ones_hbm, out_hbm, dsti, ones_v, acc):
    c = lax.axis_index("c")
    s = lax.axis_index("s")
    row0 = s * RSTRIPE
    w = c * NS + s
    pltpu.sync_copy(zeros_hbm, acc.at[pl.ds(row0, RSTRIPE)])
    pltpu.sync_copy(dst2_hbm.at[w], dsti)
    pltpu.sync_copy(ones_hbm, ones_v)
    plsc.subcore_barrier()

    @pl.loop(0, CHPS)
    def _(j):
        pltpu.sync_copy(ones_v, acc.at[dsti.at[j]], add=True)

    plsc.subcore_barrier()
    pltpu.sync_copy(acc.at[pl.ds(row0, RSTRIPE)],
                    out_hbm.at[c].at[pl.ds(row0, RSTRIPE)])


def _deg_partials(dst2, zeros640):
    ones128 = jnp.ones((ECHUNK, H), jnp.float32)
    f = pl.kernel(
        _sc_deg_body,
        out_type=jax.ShapeDtypeStruct((NC, NPAD, H), jnp.float32),
        mesh=_sc_mesh,
        scratch_types=[
            pltpu.VMEM((CHPS, ECHUNK), jnp.int32),
            pltpu.VMEM((ECHUNK, H), jnp.float32),
            pltpu.VMEM_SHARED((NPAD, H), jnp.float32),
        ],
    )
    return f(dst2, zeros640, ones128)


def _sc_agg_body(hs_hbm, src2_hbm, dst2_hbm, zeros_hbm, out_hbm,
                 srci, dsti, rows, acc, sem):
    c = lax.axis_index("c")
    s = lax.axis_index("s")
    row0 = s * RSTRIPE
    w = c * NS + s

    pltpu.sync_copy(zeros_hbm, acc.at[pl.ds(row0, RSTRIPE)])
    pltpu.sync_copy(src2_hbm.at[w], srci)
    pltpu.sync_copy(dst2_hbm.at[w], dsti)
    plsc.subcore_barrier()

    @pl.loop(0, CHPS)
    def _(j):
        pltpu.async_copy(hs_hbm.at[srci.at[j]], rows, sem).wait()
        pltpu.sync_copy(rows, acc.at[dsti.at[j]], add=True)

    plsc.subcore_barrier()
    pltpu.sync_copy(acc.at[pl.ds(row0, RSTRIPE)],
                    out_hbm.at[c].at[pl.ds(row0, RSTRIPE)])


def _edge_agg(hs, src2, dst2, zeros640):
    f = pl.kernel(
        _sc_agg_body,
        out_type=jax.ShapeDtypeStruct((NC, NPAD, H), jnp.float32),
        mesh=_sc_mesh,
        scratch_types=[
            pltpu.VMEM((CHPS, ECHUNK), jnp.int32),
            pltpu.VMEM((CHPS, ECHUNK), jnp.int32),
            pltpu.VMEM((ECHUNK, H), jnp.float32),
            pltpu.VMEM_SHARED((NPAD, H), jnp.float32),
            pltpu.SemaphoreType.DMA,
        ],
    )
    return f(hs, src2, dst2, zeros640)



def kernel(x, edge_index, batch, W0, b0, W1, b1, W2, b2, Wf, bf):
    src2 = jnp.pad(edge_index[0], (0, EPAD - E)).reshape(NC * NS, CHPS, ECHUNK)
    trash = N + jnp.arange(EPAD - E, dtype=jnp.int32) % (NPAD - N)
    dst2 = jnp.concatenate([edge_index[1], trash]).reshape(NC * NS, CHPS, ECHUNK)
    x_pad = jnp.pad(x, ((0, NPAD - N), (0, 0)))
    batch_b = jnp.broadcast_to(
        jnp.pad(batch, (0, NPAD - N), constant_values=G).astype(jnp.float32)[:, None],
        (NPAD, G))

    zeros640 = jnp.zeros((RSTRIPE, H), jnp.float32)

    degp = _deg_partials(dst2, zeros640)
    dinv_b, hs0 = _prep(degp, x_pad, W0)

    agg0 = _edge_agg(hs0, src2, dst2, zeros640)
    h1, hs1 = _layer(agg0, hs0, dinv_b, b0.reshape(1, H), W1)

    agg1 = _edge_agg(hs1, src2, dst2, zeros640)
    h2, hs2 = _layer(agg1, hs1, dinv_b, b1.reshape(1, H), W2)

    agg2 = _edge_agg(hs2, src2, dst2, zeros640)
    h3, pooled, ffn, soft = _final(agg2, hs2, dinv_b, b2.reshape(1, H),
                                   batch_b, Wf, bf.reshape(1, O))

    return ((h1[:N], h2[:N], h3[:N]), pooled, ffn, soft)

# --- scband reference (transcript-rebuilt; emitter-appended) ---
"""Pipeline reference for scband-gcn-plus-gap-model-79680233276324 (READ-ONLY COPY).

The authoritative reference and input builder live on the scoring server;
editing this copy changes nothing except your own understanding.
"""

import jax, jax.numpy as jnp
import numpy as np

N = 10000
E = 320000
D = 128
H = 128
O = 10
G = 128


def setup_inputs(seed: int = 0) -> dict:
    key = jax.random.key(seed)
    ks = jax.random.split(key, 12)
    x = jax.random.normal(ks[0], (N, D), dtype=jnp.float32)
    edge_index = jax.random.randint(ks[1], (2, E), 0, N, dtype=jnp.int32)
    batch = jnp.sort(jax.random.randint(ks[2], (N,), 0, G, dtype=jnp.int32))
    # GCNConv lin weights (xavier-style scale) and biases (zero-init per Weight_Initializer=1)
    s_in = float(np.sqrt(2.0 / (D + H)))
    s_hid = float(np.sqrt(2.0 / (H + H)))
    s_ffn = float(np.sqrt(2.0 / (H + O)))
    W0 = jax.random.normal(ks[3], (D, H), dtype=jnp.float32) * s_in
    b0 = jnp.zeros((H,), dtype=jnp.float32)
    W1 = jax.random.normal(ks[4], (H, H), dtype=jnp.float32) * s_hid
    b1 = jnp.zeros((H,), dtype=jnp.float32)
    W2 = jax.random.normal(ks[5], (H, H), dtype=jnp.float32) * s_hid
    b2 = jnp.zeros((H,), dtype=jnp.float32)
    Wf = jax.random.normal(ks[6], (H, O), dtype=jnp.float32) * s_ffn
    bf = jnp.zeros((O,), dtype=jnp.float32)
    return {"x": x, "edge_index": edge_index, "batch": batch,
            "W0": W0, "b0": b0, "W1": W1, "b1": b1, "W2": W2, "b2": b2,
            "Wf": Wf, "bf": bf}


def _gcn_conv(x, edge_index, W, b):
    # PyG GCNConv: out = D^{-1/2} (A + I) D^{-1/2} X W + b
    n = x.shape[0]
    loop = jnp.arange(n, dtype=edge_index.dtype)
    src = jnp.concatenate([edge_index[0], loop])
    dst = jnp.concatenate([edge_index[1], loop])
    deg = jnp.zeros((n,), dtype=x.dtype).at[dst].add(jnp.ones_like(dst, dtype=x.dtype))
    dinv = jnp.where(deg > 0, 1.0 / jnp.sqrt(deg), 0.0)
    norm = dinv[src] * dinv[dst]
    h = x @ W
    msg = h[src] * norm[:, None]
    out = jnp.zeros((n, W.shape[1]), dtype=x.dtype).at[dst].add(msg)
    return out + b


def reference(x, edge_index, batch, W0, b0, W1, b1, W2, b2, Wf, bf):
    hidden_outputs = []
    h = x
    for (W, b) in ((W0, b0), (W1, b1), (W2, b2)):
        h = _gcn_conv(h, edge_index, W, b)
        h = jax.nn.relu(h)
        # dropout_rate=0.0 -> identity
        hidden_outputs.append(h)
    # GlobalMeanPool (global_mean_pool over batch assignment)
    sums = jax.ops.segment_sum(h, batch, num_segments=G)
    cnt = jax.ops.segment_sum(jnp.ones((h.shape[0], 1), dtype=h.dtype), batch, num_segments=G)
    pooled = sums / jnp.maximum(cnt, 1.0)
    ffn_output = pooled @ Wf + bf
    ffn_output = jax.nn.relu(ffn_output)
    soft = jax.nn.softmax(ffn_output, axis=1)
    return (tuple(hidden_outputs), pooled, ffn_output, soft)

if __name__ == "__main__":
    import jax
    _d = setup_inputs()
    print(jax.jit(kernel)(*tuple(_d.values())))

</pallas_src>

<mosaic_0001>
#map = affine_map<(d0, d1) -> (0, 0)>
#map1 = affine_map<(d0, d1) -> (0, 0, 0)>
module attributes {stable_mosaic.version = 14 : i64} {
  func.func @_sc_agg_body(%arg0: i32, %arg1: i32, %arg2: memref<10240x128xf32, #tpu.memory_space<hbm>>, %arg3: memref<32x125x80xi32, #tpu.memory_space<hbm>>, %arg4: memref<32x125x80xi32, #tpu.memory_space<hbm>>, %arg5: memref<640x128xf32, #tpu.memory_space<hbm>>, %arg6: memref<2x10240x128xf32, #tpu.memory_space<hbm>>, %arg7: memref<125x80xi32, #tpu.memory_space<vmem>>, %arg8: memref<125x80xi32, #tpu.memory_space<vmem>>, %arg9: memref<80x128xf32, #tpu.memory_space<vmem>>, %arg10: memref<10240x128xf32, #tpu.memory_space<vmem_shared>>, %arg11: memref<!tpu.dma_semaphore, #tpu.memory_space<semaphore_mem>>) attributes {dimension_semantics = [#tpu.dimension_semantics<core_parallel>, #tpu.dimension_semantics<subcore_parallel>], iteration_bounds = array<i64: 2, 16>, scalar_prefetch = 0 : i64, scratch_operands = 5 : i64, tpu.core_type = #tpu.core_type<sc_vector_subcore>, window_params = [{transform_indices = #map}, {transform_indices = #map1}, {transform_indices = #map1}, {transform_indices = #map}, {transform_indices = #map1}]} {
    %mul3A = arith.constant 640 : i32
    %mul3A_0 = arith.muli %arg1, %mul3A : i32
    %mul3A_1 = arith.constant 16 : i32
    %mul3A_2 = arith.muli %arg0, %mul3A_1 : i32
    %add3A = arith.addi %mul3A_2, %arg1 : i32
    "tpu.region"() ({
      %run_scoped3A = tpu.sem_alloc : memref<!tpu.dma_semaphore, #tpu.memory_space<semaphore_mem>>
      %dma_start3A = arith.constant 0 : i32
      %dma_start3A_8 = tpu.memref_slice %arg10[%mul3A_0, %dma_start3A] : memref<10240x128xf32, #tpu.memory_space<vmem_shared>> -> memref<640x128xf32, #tpu.memory_space<vmem_shared>>
      tpu.enqueue_dma source(%arg5 : memref<640x128xf32, #tpu.memory_space<hbm>>) target(%dma_start3A_8 : memref<640x128xf32, #tpu.memory_space<vmem_shared>>) target_semaphore(%run_scoped3A : memref<!tpu.dma_semaphore, #tpu.memory_space<semaphore_mem>>)
      %dma_wait3A = arith.constant 0 : i32
      %dma_wait3A_9 = tpu.memref_slice %arg10[%mul3A_0, %dma_wait3A] : memref<10240x128xf32, #tpu.memory_space<vmem_shared>> -> memref<640x128xf32, #tpu.memory_space<vmem_shared>>
      tpu.wait_dma2 semaphore(%run_scoped3A : memref<!tpu.dma_semaphore, #tpu.memory_space<semaphore_mem>>) src(%arg5 : memref<640x128xf32, #tpu.memory_space<hbm>>) dst(%dma_wait3A_9 : memref<640x128xf32, #tpu.memory_space<vmem_shared>>)
      tpu.yield
    }) : () -> ()
    "tpu.region"() ({
      %run_scoped3A = tpu.sem_alloc : memref<!tpu.dma_semaphore, #tpu.memory_space<semaphore_mem>>
      %dma_start3A = arith.constant 0 : i32
      %dma_start3A_8 = arith.constant 0 : i32
      %dma_start3A_9 = tpu.memref_slice %arg3[%add3A, %dma_start3A, %dma_start3A_8] : memref<32x125x80xi32, #tpu.memory_space<hbm>> -> memref<1x125x80xi32, #tpu.memory_space<hbm>>
      %dma_start3A_10 = tpu.memref_squeeze %dma_start3A_9 : memref<1x125x80xi32, #tpu.memory_space<hbm>> -> memref<125x80xi32, #tpu.memory_space<hbm>>
      %dma_start3A_11 = arith.constant 0 : i32
      %dma_start3A_12 = arith.constant 0 : i32
      %dma_start3A_13 = tpu.memref_slice %arg3[%add3A, %dma_start3A_11, %dma_start3A_12] : memref<32x125x80xi32, #tpu.memory_space<hbm>> -> memref<1x125x80xi32, #tpu.memory_space<hbm>>
      %dma_start3A_14 = tpu.memref_squeeze %dma_start3A_13 : memref<1x125x80xi32, #tpu.memory_space<hbm>> -> memref<125x80xi32, #tpu.memory_space<hbm>>
      tpu.enqueue_dma source(%dma_start3A_14 : memref<125x80xi32, #tpu.memory_space<hbm>>) target(%arg7 : memref<125x80xi32, #tpu.memory_space<vmem>>) target_semaphore(%run_scoped3A : memref<!tpu.dma_semaphore, #tpu.memory_space<semaphore_mem>>)
      %dma_wait3A = arith.constant 0 : i32
      %dma_wait3A_15 = arith.constant 0 : i32
      %dma_wait3A_16 = tpu.memref_slice %arg3[%add3A, %dma_wait3A, %dma_wait3A_15] : memref<32x125x80xi32, #tpu.memory_space<hbm>> -> memref<1x125x80xi32, #tpu.memory_space<hbm>>
      %dma_wait3A_17 = tpu.memref_squeeze %dma_wait3A_16 : memref<1x125x80xi32, #tpu.memory_space<hbm>> -> memref<125x80xi32, #tpu.memory_space<hbm>>
      %dma_wait3A_18 = arith.constant 0 : i32
      %dma_wait3A_19 = arith.constant 0 : i32
      %dma_wait3A_20 = tpu.memref_slice %arg3[%add3A, %dma_wait3A_18, %dma_wait3A_19] : memref<32x125x80xi32, #tpu.memory_space<hbm>> -> memref<1x125x80xi32, #tpu.memory_space<hbm>>
      %dma_wait3A_21 = tpu.memref_squeeze %dma_wait3A_20 : memref<1x125x80xi32, #tpu.memory_space<hbm>> -> memref<125x80xi32, #tpu.memory_space<hbm>>
      tpu.wait_dma2 semaphore(%run_scoped3A : memref<!tpu.dma_semaphore, #tpu.memory_space<semaphore_mem>>) src(%dma_wait3A_21 : memref<125x80xi32, #tpu.memory_space<hbm>>) dst(%arg7 : memref<125x80xi32, #tpu.memory_space<vmem>>)
      tpu.yield
    }) : () -> ()
    "tpu.region"() ({
      %run_scoped3A = tpu.sem_alloc : memref<!tpu.dma_semaphore, #tpu.memory_space<semaphore_mem>>
      %dma_start3A = arith.constant 0 : i32
      %dma_start3A_8 = arith.constant 0 : i32
      %dma_start3A_9 = tpu.memref_slice %arg4[%add3A, %dma_start3A, %dma_start3A_8] : memref<32x125x80xi32, #tpu.memory_space<hbm>> -> memref<1x125x80xi32, #tpu.memory_space<hbm>>
      %dma_start3A_10 = tpu.memref_squeeze %dma_start3A_9 : memref<1x125x80xi32, #tpu.memory_space<hbm>> -> memref<125x80xi32, #tpu.memory_space<hbm>>
      %dma_start3A_11 = arith.constant 0 : i32
      %dma_start3A_12 = arith.constant 0 : i32
      %dma_start3A_13 = tpu.memref_slice %arg4[%add3A, %dma_start3A_11, %dma_start3A_12] : memref<32x125x80xi32, #tpu.memory_space<hbm>> -> memref<1x125x80xi32, #tpu.memory_space<hbm>>
      %dma_start3A_14 = tpu.memref_squeeze %dma_start3A_13 : memref<1x125x80xi32, #tpu.memory_space<hbm>> -> memref<125x80xi32, #tpu.memory_space<hbm>>
      tpu.enqueue_dma source(%dma_start3A_14 : memref<125x80xi32, #tpu.memory_space<hbm>>) target(%arg8 : memref<125x80xi32, #tpu.memory_space<vmem>>) target_semaphore(%run_scoped3A : memref<!tpu.dma_semaphore, #tpu.memory_space<semaphore_mem>>)
      %dma_wait3A = arith.constant 0 : i32
      %dma_wait3A_15 = arith.constant 0 : i32
      %dma_wait3A_16 = tpu.memref_slice %arg4[%add3A, %dma_wait3A, %dma_wait3A_15] : memref<32x125x80xi32, #tpu.memory_space<hbm>> -> memref<1x125x80xi32, #tpu.memory_space<hbm>>
      %dma_wait3A_17 = tpu.memref_squeeze %dma_wait3A_16 : memref<1x125x80xi32, #tpu.memory_space<hbm>> -> memref<125x80xi32, #tpu.memory_space<hbm>>
      %dma_wait3A_18 = arith.constant 0 : i32
      %dma_wait3A_19 = arith.constant 0 : i32
      %dma_wait3A_20 = tpu.memref_slice %arg4[%add3A, %dma_wait3A_18, %dma_wait3A_19] : memref<32x125x80xi32, #tpu.memory_space<hbm>> -> memref<1x125x80xi32, #tpu.memory_space<hbm>>
      %dma_wait3A_21 = tpu.memref_squeeze %dma_wait3A_20 : memref<1x125x80xi32, #tpu.memory_space<hbm>> -> memref<125x80xi32, #tpu.memory_space<hbm>>
      tpu.wait_dma2 semaphore(%run_scoped3A : memref<!tpu.dma_semaphore, #tpu.memory_space<semaphore_mem>>) src(%dma_wait3A_21 : memref<125x80xi32, #tpu.memory_space<hbm>>) dst(%arg8 : memref<125x80xi32, #tpu.memory_space<vmem>>)
      tpu.yield
    }) : () -> ()
    %barrier3A = arith.constant 0 : index
    tpu.barrier barrier_id(%barrier3A)
    %scan3A = arith.constant 0 : i32
    %scan3A_3 = arith.constant 125 : i32
    %scan3A_4 = arith.addi %scan3A, %scan3A_3 : i32
    %scan3A_5 = arith.constant 1 : i32
    scf.for %scan3A_8 = %scan3A to %scan3A_4 step %scan3A_5  : i32 {
      %mul3A_9 = arith.constant 1 : i32
      %mul3A_10 = arith.muli %scan3A_8, %mul3A_9 : i32
      %add3A_11 = arith.constant 0 : i32
      %add3A_12 = arith.addi %add3A_11, %mul3A_10 : i32
      %dma_start3A = arith.constant 0 : i32
      %dma_start3A_13 = tpu.memref_slice %arg7[%add3A_12, %dma_start3A] : memref<125x80xi32, #tpu.memory_space<vmem>> -> memref<1x80xi32, #tpu.memory_space<vmem>>
      %dma_start3A_14 = tpu.memref_squeeze %dma_start3A_13 : memref<1x80xi32, #tpu.memory_space<vmem>> -> memref<80xi32, #tpu.memory_space<vmem>>
      %dma_start3A_15 = arith.constant 0 : i32
      %dma_start3A_16 = arith.constant 0 : i32
      %dma_start3A_17 = tpu.memref_slice %arg2[%dma_start3A_15, %dma_start3A_16] : memref<10240x128xf32, #tpu.memory_space<hbm>> -> memref<10240x128xf32, #tpu.memory_space<hbm>>
      tpu.enqueue_indirect_dma source(%dma_start3A_17 : memref<10240x128xf32, #tpu.memory_space<hbm>>) target(%arg9 : memref<80x128xf32, #tpu.memory_space<vmem>>) offsets(%dma_start3A_14 : memref<80xi32, #tpu.memory_space<vmem>>) semaphore(%arg11 : memref<!tpu.dma_semaphore, #tpu.memory_space<semaphore_mem>>)
      %dma_wait3A = arith.constant 0 : i32
      %dma_wait3A_18 = tpu.memref_slice %arg7[%add3A_12, %dma_wait3A] : memref<125x80xi32, #tpu.memory_space<vmem>> -> memref<1x80xi32, #tpu.memory_space<vmem>>
      %dma_wait3A_19 = tpu.memref_squeeze %dma_wait3A_18 : memref<1x80xi32, #tpu.memory_space<vmem>> -> memref<80xi32, #tpu.memory_space<vmem>>
      %dma_wait3A_20 = arith.constant 0 : i32
      %dma_wait3A_21 = arith.constant 0 : i32
      %dma_wait3A_22 = tpu.memref_slice %arg2[%dma_wait3A_20, %dma_wait3A_21] : memref<10240x128xf32, #tpu.memory_space<hbm>> -> memref<10240x128xf32, #tpu.memory_space<hbm>>
      tpu.wait_indirect_dma semaphore(%arg11 : memref<!tpu.dma_semaphore, #tpu.memory_space<semaphore_mem>>) src(%dma_wait3A_22 : memref<10240x128xf32, #tpu.memory_space<hbm>>) dst(%arg9 : memref<80x128xf32, #tpu.memory_space<vmem>>)
      "tpu.region"() ({
        %run_scoped3A = tpu.sem_alloc : memref<!tpu.dma_semaphore, #tpu.memory_space<semaphore_mem>>
        %dma_start3A_23 = arith.constant 0 : i32
        %dma_start3A_24 = tpu.memref_slice %arg8[%add3A_12, %dma_start3A_23] : memref<125x80xi32, #tpu.memory_space<vmem>> -> memref<1x80xi32, #tpu.memory_space<vmem>>
        %dma_start3A_25 = tpu.memref_squeeze %dma_start3A_24 : memref<1x80xi32, #tpu.memory_space<vmem>> -> memref<80xi32, #tpu.memory_space<vmem>>
        %dma_start3A_26 = arith.constant 0 : i32
        %dma_start3A_27 = arith.constant 0 : i32
        %dma_start3A_28 = tpu.memref_slice %arg10[%dma_start3A_26, %dma_start3A_27] : memref<10240x128xf32, #tpu.memory_space<vmem_shared>> -> memref<10240x128xf32, #tpu.memory_space<vmem_shared>>
        tpu.enqueue_indirect_dma source(%arg9 : memref<80x128xf32, #tpu.memory_space<vmem>>) target(%dma_start3A_28 : memref<10240x128xf32, #tpu.memory_space<vmem_shared>>) offsets(%dma_start3A_25 : memref<80xi32, #tpu.memory_space<vmem>>) semaphore(%run_scoped3A : memref<!tpu.dma_semaphore, #tpu.memory_space<semaphore_mem>>) {add = true}
        %dma_wait3A_29 = arith.constant 0 : i32
        %dma_wait3A_30 = tpu.memref_slice %arg8[%add3A_12, %dma_wait3A_29] : memref<125x80xi32, #tpu.memory_space<vmem>> -> memref<1x80xi32, #tpu.memory_space<vmem>>
        %dma_wait3A_31 = tpu.memref_squeeze %dma_wait3A_30 : memref<1x80xi32, #tpu.memory_space<vmem>> -> memref<80xi32, #tpu.memory_space<vmem>>
        %dma_wait3A_32 = arith.constant 0 : i32
        %dma_wait3A_33 = arith.constant 0 : i32
        %dma_wait3A_34 = tpu.memref_slice %arg10[%dma_wait3A_32, %dma_wait3A_33] : memref<10240x128xf32, #tpu.memory_space<vmem_shared>> -> memref<10240x128xf32, #tpu.memory_space<vmem_shared>>
        tpu.wait_indirect_dma semaphore(%run_scoped3A : memref<!tpu.dma_semaphore, #tpu.memory_space<semaphore_mem>>) src(%arg9 : memref<80x128xf32, #tpu.memory_space<vmem>>) dst(%dma_wait3A_34 : memref<10240x128xf32, #tpu.memory_space<vmem_shared>>)
        tpu.yield
      }) : () -> ()
    }
    %scan3A_6 = arith.constant 125 : i32
    %barrier3A_7 = arith.constant 0 : index
    tpu.barrier barrier_id(%barrier3A_7)
    "tpu.region"() ({
      %run_scoped3A = tpu.sem_alloc : memref<!tpu.dma_semaphore, #tpu.memory_space<semaphore_mem>>
      %dma_start3A = arith.constant 0 : i32
      %dma_start3A_8 = arith.constant 0 : i32
      %dma_start3A_9 = tpu.memref_slice %arg6[%arg0, %dma_start3A, %dma_start3A_8] : memref<2x10240x128xf32, #tpu.memory_space<hbm>> -> memref<1x10240x128xf32, #tpu.memory_space<hbm>>
      %dma_start3A_10 = tpu.memref_squeeze %dma_start3A_9 : memref<1x10240x128xf32, #tpu.memory_space<hbm>> -> memref<10240x128xf32, #tpu.memory_space<hbm>>
      %dma_start3A_11 = arith.constant 0 : i32
      %dma_start3A_12 = tpu.memref_slice %dma_start3A_10[%mul3A_0, %dma_start3A_11] : memref<10240x128xf32, #tpu.memory_space<hbm>> -> memref<640x128xf32, #tpu.memory_space<hbm>>
      %dma_start3A_13 = arith.constant 0 : i32
      %dma_start3A_14 = tpu.memref_slice %arg10[%mul3A_0, %dma_start3A_13] : memref<10240x128xf32, #tpu.memory_space<vmem_shared>> -> memref<640x128xf32, #tpu.memory_space<vmem_shared>>
      tpu.enqueue_dma source(%dma_start3A_14 : memref<640x128xf32, #tpu.memory_space<vmem_shared>>) target(%dma_start3A_12 : memref<640x128xf32, #tpu.memory_space<hbm>>) target_semaphore(%run_scoped3A : memref<!tpu.dma_semaphore, #tpu.memory_space<semaphore_mem>>)
      %dma_wait3A = arith.constant 0 : i32
      %dma_wait3A_15 = arith.constant 0 : i32
      %dma_wait3A_16 = tpu.memref_slice %arg6[%arg0, %dma_wait3A, %dma_wait3A_15] : memref<2x10240x128xf32, #tpu.memory_space<hbm>> -> memref<1x10240x128xf32, #tpu.memory_space<hbm>>
      %dma_wait3A_17 = tpu.memref_squeeze %dma_wait3A_16 : memref<1x10240x128xf32, #tpu.memory_space<hbm>> -> memref<10240x128xf32, #tpu.memory_space<hbm>>
      %dma_wait3A_18 = arith.constant 0 : i32
      %dma_wait3A_19 = tpu.memref_slice %dma_wait3A_17[%mul3A_0, %dma_wait3A_18] : memref<10240x128xf32, #tpu.memory_space<hbm>> -> memref<640x128xf32, #tpu.memory_space<hbm>>
      %dma_wait3A_20 = arith.constant 0 : i32
      %dma_wait3A_21 = tpu.memref_slice %arg10[%mul3A_0, %dma_wait3A_20] : memref<10240x128xf32, #tpu.memory_space<vmem_shared>> -> memref<640x128xf32, #tpu.memory_space<vmem_shared>>
      tpu.wait_dma2 semaphore(%run_scoped3A : memref<!tpu.dma_semaphore, #tpu.memory_space<semaphore_mem>>) src(%dma_wait3A_21 : memref<640x128xf32, #tpu.memory_space<vmem_shared>>) dst(%dma_wait3A_19 : memref<640x128xf32, #tpu.memory_space<hbm>>)
      tpu.yield
    }) : () -> ()
    return
  }
}

#map = affine_map<(d0, d1) -> (0, 0, 0)>
#map1 = affine_map<(d0, d1) -> (0, 0)>
module attributes {stable_mosaic.version = 14 : i64} {
  func.func @_sc_deg_body(%arg0: i32, %arg1: i32, %arg2: memref<32x125x80xi32, #tpu.memory_space<hbm>>, %arg3: memref<640x128xf32, #tpu.memory_space<hbm>>, %arg4: memref<80x128xf32, #tpu.memory_space<hbm>>, %arg5: memref<2x10240x128xf32, #tpu.memory_space<hbm>>, %arg6: memref<125x80xi32, #tpu.memory_space<vmem>>, %arg7: memref<80x128xf32, #tpu.memory_space<vmem>>, %arg8: memref<10240x128xf32, #tpu.memory_space<vmem_shared>>) attributes {dimension_semantics = [#tpu.dimension_semantics<core_parallel>, #tpu.dimension_semantics<subcore_parallel>], iteration_bounds = array<i64: 2, 16>, scalar_prefetch = 0 : i64, scratch_operands = 3 : i64, tpu.core_type = #tpu.core_type<sc_vector_subcore>, window_params = [{transform_indices = #map}, {transform_indices = #map1}, {transform_indices = #map1}, {transform_indices = #map}]} {
    %mul3A = arith.constant 640 : i32
    %mul3A_0 = arith.muli %arg1, %mul3A : i32
    %mul3A_1 = arith.constant 16 : i32
    %mul3A_2 = arith.muli %arg0, %mul3A_1 : i32
    %add3A = arith.addi %mul3A_2, %arg1 : i32
    "tpu.region"() ({
      %run_scoped3A = tpu.sem_alloc : memref<!tpu.dma_semaphore, #tpu.memory_space<semaphore_mem>>
      %dma_start3A = arith.constant 0 : i32
      %dma_start3A_8 = tpu.memref_slice %arg8[%mul3A_0, %dma_start3A] : memref<10240x128xf32, #tpu.memory_space<vmem_shared>> -> memref<640x128xf32, #tpu.memory_space<vmem_shared>>
      tpu.enqueue_dma source(%arg3 : memref<640x128xf32, #tpu.memory_space<hbm>>) target(%dma_start3A_8 : memref<640x128xf32, #tpu.memory_space<vmem_shared>>) target_semaphore(%run_scoped3A : memref<!tpu.dma_semaphore, #tpu.memory_space<semaphore_mem>>)
      %dma_wait3A = arith.constant 0 : i32
      %dma_wait3A_9 = tpu.memref_slice %arg8[%mul3A_0, %dma_wait3A] : memref<10240x128xf32, #tpu.memory_space<vmem_shared>> -> memref<640x128xf32, #tpu.memory_space<vmem_shared>>
      tpu.wait_dma2 semaphore(%run_scoped3A : memref<!tpu.dma_semaphore, #tpu.memory_space<semaphore_mem>>) src(%arg3 : memref<640x128xf32, #tpu.memory_space<hbm>>) dst(%dma_wait3A_9 : memref<640x128xf32, #tpu.memory_space<vmem_shared>>)
      tpu.yield
    }) : () -> ()
    "tpu.region"() ({
      %run_scoped3A = tpu.sem_alloc : memref<!tpu.dma_semaphore, #tpu.memory_space<semaphore_mem>>
      %dma_start3A = arith.constant 0 : i32
      %dma_start3A_8 = arith.constant 0 : i32
      %dma_start3A_9 = tpu.memref_slice %arg2[%add3A, %dma_start3A, %dma_start3A_8] : memref<32x125x80xi32, #tpu.memory_space<hbm>> -> memref<1x125x80xi32, #tpu.memory_space<hbm>>
      %dma_start3A_10 = tpu.memref_squeeze %dma_start3A_9 : memref<1x125x80xi32, #tpu.memory_space<hbm>> -> memref<125x80xi32, #tpu.memory_space<hbm>>
      %dma_start3A_11 = arith.constant 0 : i32
      %dma_start3A_12 = arith.constant 0 : i32
      %dma_start3A_13 = tpu.memref_slice %arg2[%add3A, %dma_start3A_11, %dma_start3A_12] : memref<32x125x80xi32, #tpu.memory_space<hbm>> -> memref<1x125x80xi32, #tpu.memory_space<hbm>>
      %dma_start3A_14 = tpu.memref_squeeze %dma_start3A_13 : memref<1x125x80xi32, #tpu.memory_space<hbm>> -> memref<125x80xi32, #tpu.memory_space<hbm>>
      tpu.enqueue_dma source(%dma_start3A_14 : memref<125x80xi32, #tpu.memory_space<hbm>>) target(%arg6 : memref<125x80xi32, #tpu.memory_space<vmem>>) target_semaphore(%run_scoped3A : memref<!tpu.dma_semaphore, #tpu.memory_space<semaphore_mem>>)
      %dma_wait3A = arith.constant 0 : i32
      %dma_wait3A_15 = arith.constant 0 : i32
      %dma_wait3A_16 = tpu.memref_slice %arg2[%add3A, %dma_wait3A, %dma_wait3A_15] : memref<32x125x80xi32, #tpu.memory_space<hbm>> -> memref<1x125x80xi32, #tpu.memory_space<hbm>>
      %dma_wait3A_17 = tpu.memref_squeeze %dma_wait3A_16 : memref<1x125x80xi32, #tpu.memory_space<hbm>> -> memref<125x80xi32, #tpu.memory_space<hbm>>
      %dma_wait3A_18 = arith.constant 0 : i32
      %dma_wait3A_19 = arith.constant 0 : i32
      %dma_wait3A_20 = tpu.memref_slice %arg2[%add3A, %dma_wait3A_18, %dma_wait3A_19] : memref<32x125x80xi32, #tpu.memory_space<hbm>> -> memref<1x125x80xi32, #tpu.memory_space<hbm>>
      %dma_wait3A_21 = tpu.memref_squeeze %dma_wait3A_20 : memref<1x125x80xi32, #tpu.memory_space<hbm>> -> memref<125x80xi32, #tpu.memory_space<hbm>>
      tpu.wait_dma2 semaphore(%run_scoped3A : memref<!tpu.dma_semaphore, #tpu.memory_space<semaphore_mem>>) src(%dma_wait3A_21 : memref<125x80xi32, #tpu.memory_space<hbm>>) dst(%arg6 : memref<125x80xi32, #tpu.memory_space<vmem>>)
      tpu.yield
    }) : () -> ()
    "tpu.region"() ({
      %run_scoped3A = tpu.sem_alloc : memref<!tpu.dma_semaphore, #tpu.memory_space<semaphore_mem>>
      tpu.enqueue_dma source(%arg4 : memref<80x128xf32, #tpu.memory_space<hbm>>) target(%arg7 : memref<80x128xf32, #tpu.memory_space<vmem>>) target_semaphore(%run_scoped3A : memref<!tpu.dma_semaphore, #tpu.memory_space<semaphore_mem>>)
      tpu.wait_dma2 semaphore(%run_scoped3A : memref<!tpu.dma_semaphore, #tpu.memory_space<semaphore_mem>>) src(%arg4 : memref<80x128xf32, #tpu.memory_space<hbm>>) dst(%arg7 : memref<80x128xf32, #tpu.memory_space<vmem>>)
      tpu.yield
    }) : () -> ()
    %barrier3A = arith.constant 0 : index
    tpu.barrier barrier_id(%barrier3A)
    %scan3A = arith.constant 0 : i32
    %scan3A_3 = arith.constant 125 : i32
    %scan3A_4 = arith.addi %scan3A, %scan3A_3 : i32
    %scan3A_5 = arith.constant 1 : i32
    scf.for %scan3A_8 = %scan3A to %scan3A_4 step %scan3A_5  : i32 {
      %mul3A_9 = arith.constant 1 : i32
      %mul3A_10 = arith.muli %scan3A_8, %mul3A_9 : i32
      %add3A_11 = arith.constant 0 : i32
      %add3A_12 = arith.addi %add3A_11, %mul3A_10 : i32
      "tpu.region"() ({
        %run_scoped3A = tpu.sem_alloc : memref<!tpu.dma_semaphore, #tpu.memory_space<semaphore_mem>>
        %dma_start3A = arith.constant 0 : i32
        %dma_start3A_13 = tpu.memref_slice %arg6[%add3A_12, %dma_start3A] : memref<125x80xi32, #tpu.memory_space<vmem>> -> memref<1x80xi32, #tpu.memory_space<vmem>>
        %dma_start3A_14 = tpu.memref_squeeze %dma_start3A_13 : memref<1x80xi32, #tpu.memory_space<vmem>> -> memref<80xi32, #tpu.memory_space<vmem>>
        %dma_start3A_15 = arith.constant 0 : i32
        %dma_start3A_16 = arith.constant 0 : i32
        %dma_start3A_17 = tpu.memref_slice %arg8[%dma_start3A_15, %dma_start3A_16] : memref<10240x128xf32, #tpu.memory_space<vmem_shared>> -> memref<10240x128xf32, #tpu.memory_space<vmem_shared>>
        tpu.enqueue_indirect_dma source(%arg7 : memref<80x128xf32, #tpu.memory_space<vmem>>) target(%dma_start3A_17 : memref<10240x128xf32, #tpu.memory_space<vmem_shared>>) offsets(%dma_start3A_14 : memref<80xi32, #tpu.memory_space<vmem>>) semaphore(%run_scoped3A : memref<!tpu.dma_semaphore, #tpu.memory_space<semaphore_mem>>) {add = true}
        %dma_wait3A = arith.constant 0 : i32
        %dma_wait3A_18 = tpu.memref_slice %arg6[%add3A_12, %dma_wait3A] : memref<125x80xi32, #tpu.memory_space<vmem>> -> memref<1x80xi32, #tpu.memory_space<vmem>>
        %dma_wait3A_19 = tpu.memref_squeeze %dma_wait3A_18 : memref<1x80xi32, #tpu.memory_space<vmem>> -> memref<80xi32, #tpu.memory_space<vmem>>
        %dma_wait3A_20 = arith.constant 0 : i32
        %dma_wait3A_21 = arith.constant 0 : i32
        %dma_wait3A_22 = tpu.memref_slice %arg8[%dma_wait3A_20, %dma_wait3A_21] : memref<10240x128xf32, #tpu.memory_space<vmem_shared>> -> memref<10240x128xf32, #tpu.memory_space<vmem_shared>>
        tpu.wait_indirect_dma semaphore(%run_scoped3A : memref<!tpu.dma_semaphore, #tpu.memory_space<semaphore_mem>>) src(%arg7 : memref<80x128xf32, #tpu.memory_space<vmem>>) dst(%dma_wait3A_22 : memref<10240x128xf32, #tpu.memory_space<vmem_shared>>)
        tpu.yield
      }) : () -> ()
    }
    %scan3A_6 = arith.constant 125 : i32
    %barrier3A_7 = arith.constant 0 : index
    tpu.barrier barrier_id(%barrier3A_7)
    "tpu.region"() ({
      %run_scoped3A = tpu.sem_alloc : memref<!tpu.dma_semaphore, #tpu.memory_space<semaphore_mem>>
      %dma_start3A = arith.constant 0 : i32
      %dma_start3A_8 = arith.constant 0 : i32
      %dma_start3A_9 = tpu.memref_slice %arg5[%arg0, %dma_start3A, %dma_start3A_8] : memref<2x10240x128xf32, #tpu.memory_space<hbm>> -> memref<1x10240x128xf32, #tpu.memory_space<hbm>>
      %dma_start3A_10 = tpu.memref_squeeze %dma_start3A_9 : memref<1x10240x128xf32, #tpu.memory_space<hbm>> -> memref<10240x128xf32, #tpu.memory_space<hbm>>
      %dma_start3A_11 = arith.constant 0 : i32
      %dma_start3A_12 = tpu.memref_slice %dma_start3A_10[%mul3A_0, %dma_start3A_11] : memref<10240x128xf32, #tpu.memory_space<hbm>> -> memref<640x128xf32, #tpu.memory_space<hbm>>
      %dma_start3A_13 = arith.constant 0 : i32
      %dma_start3A_14 = tpu.memref_slice %arg8[%mul3A_0, %dma_start3A_13] : memref<10240x128xf32, #tpu.memory_space<vmem_shared>> -> memref<640x128xf32, #tpu.memory_space<vmem_shared>>
      tpu.enqueue_dma source(%dma_start3A_14 : memref<640x128xf32, #tpu.memory_space<vmem_shared>>) target(%dma_start3A_12 : memref<640x128xf32, #tpu.memory_space<hbm>>) target_semaphore(%run_scoped3A : memref<!tpu.dma_semaphore, #tpu.memory_space<semaphore_mem>>)
      %dma_wait3A = arith.constant 0 : i32
      %dma_wait3A_15 = arith.constant 0 : i32
      %dma_wait3A_16 = tpu.memref_slice %arg5[%arg0, %dma_wait3A, %dma_wait3A_15] : memref<2x10240x128xf32, #tpu.memory_space<hbm>> -> memref<1x10240x128xf32, #tpu.memory_space<hbm>>
      %dma_wait3A_17 = tpu.memref_squeeze %dma_wait3A_16 : memref<1x10240x128xf32, #tpu.memory_space<hbm>> -> memref<10240x128xf32, #tpu.memory_space<hbm>>
      %dma_wait3A_18 = arith.constant 0 : i32
      %dma_wait3A_19 = tpu.memref_slice %dma_wait3A_17[%mul3A_0, %dma_wait3A_18] : memref<10240x128xf32, #tpu.memory_space<hbm>> -> memref<640x128xf32, #tpu.memory_space<hbm>>
      %dma_wait3A_20 = arith.constant 0 : i32
      %dma_wait3A_21 = tpu.memref_slice %arg8[%mul3A_0, %dma_wait3A_20] : memref<10240x128xf32, #tpu.memory_space<vmem_shared>> -> memref<640x128xf32, #tpu.memory_space<vmem_shared>>
      tpu.wait_dma2 semaphore(%run_scoped3A : memref<!tpu.dma_semaphore, #tpu.memory_space<semaphore_mem>>) src(%dma_wait3A_21 : memref<640x128xf32, #tpu.memory_space<vmem_shared>>) dst(%dma_wait3A_19 : memref<640x128xf32, #tpu.memory_space<hbm>>)
      tpu.yield
    }) : () -> ()
    return
  }
}

#map = affine_map<(d0, d1) -> (0, 0)>
#map1 = affine_map<(d0, d1) -> (0, 0, 0)>
module attributes {stable_mosaic.version = 14 : i64} {
  func.func @_sc_agg_body(%arg0: i32, %arg1: i32, %arg2: memref<10240x128xf32, #tpu.memory_space<hbm>>, %arg3: memref<32x125x80xi32, #tpu.memory_space<hbm>>, %arg4: memref<32x125x80xi32, #tpu.memory_space<hbm>>, %arg5: memref<640x128xf32, #tpu.memory_space<hbm>>, %arg6: memref<2x10240x128xf32, #tpu.memory_space<hbm>>, %arg7: memref<125x80xi32, #tpu.memory_space<vmem>>, %arg8: memref<125x80xi32, #tpu.memory_space<vmem>>, %arg9: memref<80x128xf32, #tpu.memory_space<vmem>>, %arg10: memref<10240x128xf32, #tpu.memory_space<vmem_shared>>, %arg11: memref<!tpu.dma_semaphore, #tpu.memory_space<semaphore_mem>>) attributes {dimension_semantics = [#tpu.dimension_semantics<core_parallel>, #tpu.dimension_semantics<subcore_parallel>], iteration_bounds = array<i64: 2, 16>, scalar_prefetch = 0 : i64, scratch_operands = 5 : i64, tpu.core_type = #tpu.core_type<sc_vector_subcore>, window_params = [{transform_indices = #map}, {transform_indices = #map1}, {transform_indices = #map1}, {transform_indices = #map}, {transform_indices = #map1}]} {
    %mul3A = arith.constant 640 : i32
    %mul3A_0 = arith.muli %arg1, %mul3A : i32
    %mul3A_1 = arith.constant 16 : i32
    %mul3A_2 = arith.muli %arg0, %mul3A_1 : i32
    %add3A = arith.addi %mul3A_2, %arg1 : i32
    "tpu.region"() ({
      %run_scoped3A = tpu.sem_alloc : memref<!tpu.dma_semaphore, #tpu.memory_space<semaphore_mem>>
      %dma_start3A = arith.constant 0 : i32
      %dma_start3A_8 = tpu.memref_slice %arg10[%mul3A_0, %dma_start3A] : memref<10240x128xf32, #tpu.memory_space<vmem_shared>> -> memref<640x128xf32, #tpu.memory_space<vmem_shared>>
      tpu.enqueue_dma source(%arg5 : memref<640x128xf32, #tpu.memory_space<hbm>>) target(%dma_start3A_8 : memref<640x128xf32, #tpu.memory_space<vmem_shared>>) target_semaphore(%run_scoped3A : memref<!tpu.dma_semaphore, #tpu.memory_space<semaphore_mem>>)
      %dma_wait3A = arith.constant 0 : i32
      %dma_wait3A_9 = tpu.memref_slice %arg10[%mul3A_0, %dma_wait3A] : memref<10240x128xf32, #tpu.memory_space<vmem_shared>> -> memref<640x128xf32, #tpu.memory_space<vmem_shared>>
      tpu.wait_dma2 semaphore(%run_scoped3A : memref<!tpu.dma_semaphore, #tpu.memory_space<semaphore_mem>>) src(%arg5 : memref<640x128xf32, #tpu.memory_space<hbm>>) dst(%dma_wait3A_9 : memref<640x128xf32, #tpu.memory_space<vmem_shared>>)
      tpu.yield
    }) : () -> ()
    "tpu.region"() ({
      %run_scoped3A = tpu.sem_alloc : memref<!tpu.dma_semaphore, #tpu.memory_space<semaphore_mem>>
      %dma_start3A = arith.constant 0 : i32
      %dma_start3A_8 = arith.constant 0 : i32
      %dma_start3A_9 = tpu.memref_slice %arg3[%add3A, %dma_start3A, %dma_start3A_8] : memref<32x125x80xi32, #tpu.memory_space<hbm>> -> memref<1x125x80xi32, #tpu.memory_space<hbm>>
      %dma_start3A_10 = tpu.memref_squeeze %dma_start3A_9 : memref<1x125x80xi32, #tpu.memory_space<hbm>> -> memref<125x80xi32, #tpu.memory_space<hbm>>
      %dma_start3A_11 = arith.constant 0 : i32
      %dma_start3A_12 = arith.constant 0 : i32
      %dma_start3A_13 = tpu.memref_slice %arg3[%add3A, %dma_start3A_11, %dma_start3A_12] : memref<32x125x80xi32, #tpu.memory_space<hbm>> -> memref<1x125x80xi32, #tpu.memory_space<hbm>>
      %dma_start3A_14 = tpu.memref_squeeze %dma_start3A_13 : memref<1x125x80xi32, #tpu.memory_space<hbm>> -> memref<125x80xi32, #tpu.memory_space<hbm>>
      tpu.enqueue_dma source(%dma_start3A_14 : memref<125x80xi32, #tpu.memory_space<hbm>>) target(%arg7 : memref<125x80xi32, #tpu.memory_space<vmem>>) target_semaphore(%run_scoped3A : memref<!tpu.dma_semaphore, #tpu.memory_space<semaphore_mem>>)
      %dma_wait3A = arith.constant 0 : i32
      %dma_wait3A_15 = arith.constant 0 : i32
      %dma_wait3A_16 = tpu.memref_slice %arg3[%add3A, %dma_wait3A, %dma_wait3A_15] : memref<32x125x80xi32, #tpu.memory_space<hbm>> -> memref<1x125x80xi32, #tpu.memory_space<hbm>>
      %dma_wait3A_17 = tpu.memref_squeeze %dma_wait3A_16 : memref<1x125x80xi32, #tpu.memory_space<hbm>> -> memref<125x80xi32, #tpu.memory_space<hbm>>
      %dma_wait3A_18 = arith.constant 0 : i32
      %dma_wait3A_19 = arith.constant 0 : i32
      %dma_wait3A_20 = tpu.memref_slice %arg3[%add3A, %dma_wait3A_18, %dma_wait3A_19] : memref<32x125x80xi32, #tpu.memory_space<hbm>> -> memref<1x125x80xi32, #tpu.memory_space<hbm>>
      %dma_wait3A_21 = tpu.memref_squeeze %dma_wait3A_20 : memref<1x125x80xi32, #tpu.memory_space<hbm>> -> memref<125x80xi32, #tpu.memory_space<hbm>>
      tpu.wait_dma2 semaphore(%run_scoped3A : memref<!tpu.dma_semaphore, #tpu.memory_space<semaphore_mem>>) src(%dma_wait3A_21 : memref<125x80xi32, #tpu.memory_space<hbm>>) dst(%arg7 : memref<125x80xi32, #tpu.memory_space<vmem>>)
      tpu.yield
    }) : () -> ()
    "tpu.region"() ({
      %run_scoped3A = tpu.sem_alloc : memref<!tpu.dma_semaphore, #tpu.memory_space<semaphore_mem>>
      %dma_start3A = arith.constant 0 : i32
      %dma_start3A_8 = arith.constant 0 : i32
      %dma_start3A_9 = tpu.memref_slice %arg4[%add3A, %dma_start3A, %dma_start3A_8] : memref<32x125x80xi32, #tpu.memory_space<hbm>> -> memref<1x125x80xi32, #tpu.memory_space<hbm>>
      %dma_start3A_10 = tpu.memref_squeeze %dma_start3A_9 : memref<1x125x80xi32, #tpu.memory_space<hbm>> -> memref<125x80xi32, #tpu.memory_space<hbm>>
      %dma_start3A_11 = arith.constant 0 : i32
      %dma_start3A_12 = arith.constant 0 : i32
      %dma_start3A_13 = tpu.memref_slice %arg4[%add3A, %dma_start3A_11, %dma_start3A_12] : memref<32x125x80xi32, #tpu.memory_space<hbm>> -> memref<1x125x80xi32, #tpu.memory_space<hbm>>
      %dma_start3A_14 = tpu.memref_squeeze %dma_start3A_13 : memref<1x125x80xi32, #tpu.memory_space<hbm>> -> memref<125x80xi32, #tpu.memory_space<hbm>>
      tpu.enqueue_dma source(%dma_start3A_14 : memref<125x80xi32, #tpu.memory_space<hbm>>) target(%arg8 : memref<125x80xi32, #tpu.memory_space<vmem>>) target_semaphore(%run_scoped3A : memref<!tpu.dma_semaphore, #tpu.memory_space<semaphore_mem>>)
      %dma_wait3A = arith.constant 0 : i32
      %dma_wait3A_15 = arith.constant 0 : i32
      %dma_wait3A_16 = tpu.memref_slice %arg4[%add3A, %dma_wait3A, %dma_wait3A_15] : memref<32x125x80xi32, #tpu.memory_space<hbm>> -> memref<1x125x80xi32, #tpu.memory_space<hbm>>
      %dma_wait3A_17 = tpu.memref_squeeze %dma_wait3A_16 : memref<1x125x80xi32, #tpu.memory_space<hbm>> -> memref<125x80xi32, #tpu.memory_space<hbm>>
      %dma_wait3A_18 = arith.constant 0 : i32
      %dma_wait3A_19 = arith.constant 0 : i32
      %dma_wait3A_20 = tpu.memref_slice %arg4[%add3A, %dma_wait3A_18, %dma_wait3A_19] : memref<32x125x80xi32, #tpu.memory_space<hbm>> -> memref<1x125x80xi32, #tpu.memory_space<hbm>>
      %dma_wait3A_21 = tpu.memref_squeeze %dma_wait3A_20 : memref<1x125x80xi32, #tpu.memory_space<hbm>> -> memref<125x80xi32, #tpu.memory_space<hbm>>
      tpu.wait_dma2 semaphore(%run_scoped3A : memref<!tpu.dma_semaphore, #tpu.memory_space<semaphore_mem>>) src(%dma_wait3A_21 : memref<125x80xi32, #tpu.memory_space<hbm>>) dst(%arg8 : memref<125x80xi32, #tpu.memory_space<vmem>>)
      tpu.yield
    }) : () -> ()
    %barrier3A = arith.constant 0 : index
    tpu.barrier barrier_id(%barrier3A)
    %scan3A = arith.constant 0 : i32
    %scan3A_3 = arith.constant 125 : i32
    %scan3A_4 = arith.addi %scan3A, %scan3A_3 : i32
    %scan3A_5 = arith.constant 1 : i32
    scf.for %scan3A_8 = %scan3A to %scan3A_4 step %scan3A_5  : i32 {
      %mul3A_9 = arith.constant 1 : i32
      %mul3A_10 = arith.muli %scan3A_8, %mul3A_9 : i32
      %add3A_11 = arith.constant 0 : i32
      %add3A_12 = arith.addi %add3A_11, %mul3A_10 : i32
      %dma_start3A = arith.constant 0 : i32
      %dma_start3A_13 = tpu.memref_slice %arg7[%add3A_12, %dma_start3A] : memref<125x80xi32, #tpu.memory_space<vmem>> -> memref<1x80xi32, #tpu.memory_space<vmem>>
      %dma_start3A_14 = tpu.memref_squeeze %dma_start3A_13 : memref<1x80xi32, #tpu.memory_space<vmem>> -> memref<80xi32, #tpu.memory_space<vmem>>
      %dma_start3A_15 = arith.constant 0 : i32
      %dma_start3A_16 = arith.constant 0 : i32
      %dma_start3A_17 = tpu.memref_slice %arg2[%dma_start3A_15, %dma_start3A_16] : memref<10240x128xf32, #tpu.memory_space<hbm>> -> memref<10240x128xf32, #tpu.memory_space<hbm>>
      tpu.enqueue_indirect_dma source(%dma_start3A_17 : memref<10240x128xf32, #tpu.memory_space<hbm>>) target(%arg9 : memref<80x128xf32, #tpu.memory_space<vmem>>) offsets(%dma_start3A_14 : memref<80xi32, #tpu.memory_space<vmem>>) semaphore(%arg11 : memref<!tpu.dma_semaphore, #tpu.memory_space<semaphore_mem>>)
      %dma_wait3A = arith.constant 0 : i32
      %dma_wait3A_18 = tpu.memref_slice %arg7[%add3A_12, %dma_wait3A] : memref<125x80xi32, #tpu.memory_space<vmem>> -> memref<1x80xi32, #tpu.memory_space<vmem>>
      %dma_wait3A_19 = tpu.memref_squeeze %dma_wait3A_18 : memref<1x80xi32, #tpu.memory_space<vmem>> -> memref<80xi32, #tpu.memory_space<vmem>>
      %dma_wait3A_20 = arith.constant 0 : i32
      %dma_wait3A_21 = arith.constant 0 : i32
      %dma_wait3A_22 = tpu.memref_slice %arg2[%dma_wait3A_20, %dma_wait3A_21] : memref<10240x128xf32, #tpu.memory_space<hbm>> -> memref<10240x128xf32, #tpu.memory_space<hbm>>
      tpu.wait_indirect_dma semaphore(%arg11 : memref<!tpu.dma_semaphore, #tpu.memory_space<semaphore_mem>>) src(%dma_wait3A_22 : memref<10240x128xf32, #tpu.memory_space<hbm>>) dst(%arg9 : memref<80x128xf32, #tpu.memory_space<vmem>>)
      "tpu.region"() ({
        %run_scoped3A = tpu.sem_alloc : memref<!tpu.dma_semaphore, #tpu.memory_space<semaphore_mem>>
        %dma_start3A_23 = arith.constant 0 : i32
        %dma_start3A_24 = tpu.memref_slice %arg8[%add3A_12, %dma_start3A_23] : memref<125x80xi32, #tpu.memory_space<vmem>> -> memref<1x80xi32, #tpu.memory_space<vmem>>
        %dma_start3A_25 = tpu.memref_squeeze %dma_start3A_24 : memref<1x80xi32, #tpu.memory_space<vmem>> -> memref<80xi32, #tpu.memory_space<vmem>>
        %dma_start3A_26 = arith.constant 0 : i32
        %dma_start3A_27 = arith.constant 0 : i32
        %dma_start3A_28 = tpu.memref_slice %arg10[%dma_start3A_26, %dma_start3A_27] : memref<10240x128xf32, #tpu.memory_space<vmem_shared>> -> memref<10240x128xf32, #tpu.memory_space<vmem_shared>>
        tpu.enqueue_indirect_dma source(%arg9 : memref<80x128xf32, #tpu.memory_space<vmem>>) target(%dma_start3A_28 : memref<10240x128xf32, #tpu.memory_space<vmem_shared>>) offsets(%dma_start3A_25 : memref<80xi32, #tpu.memory_space<vmem>>) semaphore(%run_scoped3A : memref<!tpu.dma_semaphore, #tpu.memory_space<semaphore_mem>>) {add = true}
        %dma_wait3A_29 = arith.constant 0 : i32
        %dma_wait3A_30 = tpu.memref_slice %arg8[%add3A_12, %dma_wait3A_29] : memref<125x80xi32, #tpu.memory_space<vmem>> -> memref<1x80xi32, #tpu.memory_space<vmem>>
        %dma_wait3A_31 = tpu.memref_squeeze %dma_wait3A_30 : memref<1x80xi32, #tpu.memory_space<vmem>> -> memref<80xi32, #tpu.memory_space<vmem>>
        %dma_wait3A_32 = arith.constant 0 : i32
        %dma_wait3A_33 = arith.constant 0 : i32
        %dma_wait3A_34 = tpu.memref_slice %arg10[%dma_wait3A_32, %dma_wait3A_33] : memref<10240x128xf32, #tpu.memory_space<vmem_shared>> -> memref<10240x128xf32, #tpu.memory_space<vmem_shared>>
        tpu.wait_indirect_dma semaphore(%run_scoped3A : memref<!tpu.dma_semaphore, #tpu.memory_space<semaphore_mem>>) src(%arg9 : memref<80x128xf32, #tpu.memory_space<vmem>>) dst(%dma_wait3A_34 : memref<10240x128xf32, #tpu.memory_space<vmem_shared>>)
        tpu.yield
      }) : () -> ()
    }
    %scan3A_6 = arith.constant 125 : i32
    %barrier3A_7 = arith.constant 0 : index
    tpu.barrier barrier_id(%barrier3A_7)
    "tpu.region"() ({
      %run_scoped3A = tpu.sem_alloc : memref<!tpu.dma_semaphore, #tpu.memory_space<semaphore_mem>>
      %dma_start3A = arith.constant 0 : i32
      %dma_start3A_8 = arith.constant 0 : i32
      %dma_start3A_9 = tpu.memref_slice %arg6[%arg0, %dma_start3A, %dma_start3A_8] : memref<2x10240x128xf32, #tpu.memory_space<hbm>> -> memref<1x10240x128xf32, #tpu.memory_space<hbm>>
      %dma_start3A_10 = tpu.memref_squeeze %dma_start3A_9 : memref<1x10240x128xf32, #tpu.memory_space<hbm>> -> memref<10240x128xf32, #tpu.memory_space<hbm>>
      %dma_start3A_11 = arith.constant 0 : i32
      %dma_start3A_12 = tpu.memref_slice %dma_start3A_10[%mul3A_0, %dma_start3A_11] : memref<10240x128xf32, #tpu.memory_space<hbm>> -> memref<640x128xf32, #tpu.memory_space<hbm>>
      %dma_start3A_13 = arith.constant 0 : i32
      %dma_start3A_14 = tpu.memref_slice %arg10[%mul3A_0, %dma_start3A_13] : memref<10240x128xf32, #tpu.memory_space<vmem_shared>> -> memref<640x128xf32, #tpu.memory_space<vmem_shared>>
      tpu.enqueue_dma source(%dma_start3A_14 : memref<640x128xf32, #tpu.memory_space<vmem_shared>>) target(%dma_start3A_12 : memref<640x128xf32, #tpu.memory_space<hbm>>) target_semaphore(%run_scoped3A : memref<!tpu.dma_semaphore, #tpu.memory_space<semaphore_mem>>)
      %dma_wait3A = arith.constant 0 : i32
      %dma_wait3A_15 = arith.constant 0 : i32
      %dma_wait3A_16 = tpu.memref_slice %arg6[%arg0, %dma_wait3A, %dma_wait3A_15] : memref<2x10240x128xf32, #tpu.memory_space<hbm>> -> memref<1x10240x128xf32, #tpu.memory_space<hbm>>
      %dma_wait3A_17 = tpu.memref_squeeze %dma_wait3A_16 : memref<1x10240x128xf32, #tpu.memory_space<hbm>> -> memref<10240x128xf32, #tpu.memory_space<hbm>>
      %dma_wait3A_18 = arith.constant 0 : i32
      %dma_wait3A_19 = tpu.memref_slice %dma_wait3A_17[%mul3A_0, %dma_wait3A_18] : memref<10240x128xf32, #tpu.memory_space<hbm>> -> memref<640x128xf32, #tpu.memory_space<hbm>>
      %dma_wait3A_20 = arith.constant 0 : i32
      %dma_wait3A_21 = tpu.memref_slice %arg10[%mul3A_0, %dma_wait3A_20] : memref<10240x128xf32, #tpu.memory_space<vmem_shared>> -> memref<640x128xf32, #tpu.memory_space<vmem_shared>>
      tpu.wait_dma2 semaphore(%run_scoped3A : memref<!tpu.dma_semaphore, #tpu.memory_space<semaphore_mem>>) src(%dma_wait3A_21 : memref<640x128xf32, #tpu.memory_space<vmem_shared>>) dst(%dma_wait3A_19 : memref<640x128xf32, #tpu.memory_space<hbm>>)
      tpu.yield
    }) : () -> ()
    return
  }
}

#map = affine_map<(d0, d1) -> (0, 0)>
#map1 = affine_map<(d0, d1) -> (0, 0, 0)>
module attributes {stable_mosaic.version = 14 : i64} {
  func.func @_sc_agg_body(%arg0: i32, %arg1: i32, %arg2: memref<10240x128xf32, #tpu.memory_space<hbm>>, %arg3: memref<32x125x80xi32, #tpu.memory_space<hbm>>, %arg4: memref<32x125x80xi32, #tpu.memory_space<hbm>>, %arg5: memref<640x128xf32, #tpu.memory_space<hbm>>, %arg6: memref<2x10240x128xf32, #tpu.memory_space<hbm>>, %arg7: memref<125x80xi32, #tpu.memory_space<vmem>>, %arg8: memref<125x80xi32, #tpu.memory_space<vmem>>, %arg9: memref<80x128xf32, #tpu.memory_space<vmem>>, %arg10: memref<10240x128xf32, #tpu.memory_space<vmem_shared>>, %arg11: memref<!tpu.dma_semaphore, #tpu.memory_space<semaphore_mem>>) attributes {dimension_semantics = [#tpu.dimension_semantics<core_parallel>, #tpu.dimension_semantics<subcore_parallel>], iteration_bounds = array<i64: 2, 16>, scalar_prefetch = 0 : i64, scratch_operands = 5 : i64, tpu.core_type = #tpu.core_type<sc_vector_subcore>, window_params = [{transform_indices = #map}, {transform_indices = #map1}, {transform_indices = #map1}, {transform_indices = #map}, {transform_indices = #map1}]} {
    %mul3A = arith.constant 640 : i32
    %mul3A_0 = arith.muli %arg1, %mul3A : i32
    %mul3A_1 = arith.constant 16 : i32
    %mul3A_2 = arith.muli %arg0, %mul3A_1 : i32
    %add3A = arith.addi %mul3A_2, %arg1 : i32
    "tpu.region"() ({
      %run_scoped3A = tpu.sem_alloc : memref<!tpu.dma_semaphore, #tpu.memory_space<semaphore_mem>>
      %dma_start3A = arith.constant 0 : i32
      %dma_start3A_8 = tpu.memref_slice %arg10[%mul3A_0, %dma_start3A] : memref<10240x128xf32, #tpu.memory_space<vmem_shared>> -> memref<640x128xf32, #tpu.memory_space<vmem_shared>>
      tpu.enqueue_dma source(%arg5 : memref<640x128xf32, #tpu.memory_space<hbm>>) target(%dma_start3A_8 : memref<640x128xf32, #tpu.memory_space<vmem_shared>>) target_semaphore(%run_scoped3A : memref<!tpu.dma_semaphore, #tpu.memory_space<semaphore_mem>>)
      %dma_wait3A = arith.constant 0 : i32
      %dma_wait3A_9 = tpu.memref_slice %arg10[%mul3A_0, %dma_wait3A] : memref<10240x128xf32, #tpu.memory_space<vmem_shared>> -> memref<640x128xf32, #tpu.memory_space<vmem_shared>>
      tpu.wait_dma2 semaphore(%run_scoped3A : memref<!tpu.dma_semaphore, #tpu.memory_space<semaphore_mem>>) src(%arg5 : memref<640x128xf32, #tpu.memory_space<hbm>>) dst(%dma_wait3A_9 : memref<640x128xf32, #tpu.memory_space<vmem_shared>>)
      tpu.yield
    }) : () -> ()
    "tpu.region"() ({
      %run_scoped3A = tpu.sem_alloc : memref<!tpu.dma_semaphore, #tpu.memory_space<semaphore_mem>>
      %dma_start3A = arith.constant 0 : i32
      %dma_start3A_8 = arith.constant 0 : i32
      %dma_start3A_9 = tpu.memref_slice %arg3[%add3A, %dma_start3A, %dma_start3A_8] : memref<32x125x80xi32, #tpu.memory_space<hbm>> -> memref<1x125x80xi32, #tpu.memory_space<hbm>>
      %dma_start3A_10 = tpu.memref_squeeze %dma_start3A_9 : memref<1x125x80xi32, #tpu.memory_space<hbm>> -> memref<125x80xi32, #tpu.memory_space<hbm>>
      %dma_start3A_11 = arith.constant 0 : i32
      %dma_start3A_12 = arith.constant 0 : i32
      %dma_start3A_13 = tpu.memref_slice %arg3[%add3A, %dma_start3A_11, %dma_start3A_12] : memref<32x125x80xi32, #tpu.memory_space<hbm>> -> memref<1x125x80xi32, #tpu.memory_space<hbm>>
      %dma_start3A_14 = tpu.memref_squeeze %dma_start3A_13 : memref<1x125x80xi32, #tpu.memory_space<hbm>> -> memref<125x80xi32, #tpu.memory_space<hbm>>
      tpu.enqueue_dma source(%dma_start3A_14 : memref<125x80xi32, #tpu.memory_space<hbm>>) target(%arg7 : memref<125x80xi32, #tpu.memory_space<vmem>>) target_semaphore(%run_scoped3A : memref<!tpu.dma_semaphore, #tpu.memory_space<semaphore_mem>>)
      %dma_wait3A = arith.constant 0 : i32
      %dma_wait3A_15 = arith.constant 0 : i32
      %dma_wait3A_16 = tpu.memref_slice %arg3[%add3A, %dma_wait3A, %dma_wait3A_15] : memref<32x125x80xi32, #tpu.memory_space<hbm>> -> memref<1x125x80xi32, #tpu.memory_space<hbm>>
      %dma_wait3A_17 = tpu.memref_squeeze %dma_wait3A_16 : memref<1x125x80xi32, #tpu.memory_space<hbm>> -> memref<125x80xi32, #tpu.memory_space<hbm>>
      %dma_wait3A_18 = arith.constant 0 : i32
      %dma_wait3A_19 = arith.constant 0 : i32
      %dma_wait3A_20 = tpu.memref_slice %arg3[%add3A, %dma_wait3A_18, %dma_wait3A_19] : memref<32x125x80xi32, #tpu.memory_space<hbm>> -> memref<1x125x80xi32, #tpu.memory_space<hbm>>
      %dma_wait3A_21 = tpu.memref_squeeze %dma_wait3A_20 : memref<1x125x80xi32, #tpu.memory_space<hbm>> -> memref<125x80xi32, #tpu.memory_space<hbm>>
      tpu.wait_dma2 semaphore(%run_scoped3A : memref<!tpu.dma_semaphore, #tpu.memory_space<semaphore_mem>>) src(%dma_wait3A_21 : memref<125x80xi32, #tpu.memory_space<hbm>>) dst(%arg7 : memref<125x80xi32, #tpu.memory_space<vmem>>)
      tpu.yield
    }) : () -> ()
    "tpu.region"() ({
      %run_scoped3A = tpu.sem_alloc : memref<!tpu.dma_semaphore, #tpu.memory_space<semaphore_mem>>
      %dma_start3A = arith.constant 0 : i32
      %dma_start3A_8 = arith.constant 0 : i32
      %dma_start3A_9 = tpu.memref_slice %arg4[%add3A, %dma_start3A, %dma_start3A_8] : memref<32x125x80xi32, #tpu.memory_space<hbm>> -> memref<1x125x80xi32, #tpu.memory_space<hbm>>
      %dma_start3A_10 = tpu.memref_squeeze %dma_start3A_9 : memref<1x125x80xi32, #tpu.memory_space<hbm>> -> memref<125x80xi32, #tpu.memory_space<hbm>>
      %dma_start3A_11 = arith.constant 0 : i32
      %dma_start3A_12 = arith.constant 0 : i32
      %dma_start3A_13 = tpu.memref_slice %arg4[%add3A, %dma_start3A_11, %dma_start3A_12] : memref<32x125x80xi32, #tpu.memory_space<hbm>> -> memref<1x125x80xi32, #tpu.memory_space<hbm>>
      %dma_start3A_14 = tpu.memref_squeeze %dma_start3A_13 : memref<1x125x80xi32, #tpu.memory_space<hbm>> -> memref<125x80xi32, #tpu.memory_space<hbm>>
      tpu.enqueue_dma source(%dma_start3A_14 : memref<125x80xi32, #tpu.memory_space<hbm>>) target(%arg8 : memref<125x80xi32, #tpu.memory_space<vmem>>) target_semaphore(%run_scoped3A : memref<!tpu.dma_semaphore, #tpu.memory_space<semaphore_mem>>)
      %dma_wait3A = arith.constant 0 : i32
      %dma_wait3A_15 = arith.constant 0 : i32
      %dma_wait3A_16 = tpu.memref_slice %arg4[%add3A, %dma_wait3A, %dma_wait3A_15] : memref<32x125x80xi32, #tpu.memory_space<hbm>> -> memref<1x125x80xi32, #tpu.memory_space<hbm>>
      %dma_wait3A_17 = tpu.memref_squeeze %dma_wait3A_16 : memref<1x125x80xi32, #tpu.memory_space<hbm>> -> memref<125x80xi32, #tpu.memory_space<hbm>>
      %dma_wait3A_18 = arith.constant 0 : i32
      %dma_wait3A_19 = arith.constant 0 : i32
      %dma_wait3A_20 = tpu.memref_slice %arg4[%add3A, %dma_wait3A_18, %dma_wait3A_19] : memref<32x125x80xi32, #tpu.memory_space<hbm>> -> memref<1x125x80xi32, #tpu.memory_space<hbm>>
      %dma_wait3A_21 = tpu.memref_squeeze %dma_wait3A_20 : memref<1x125x80xi32, #tpu.memory_space<hbm>> -> memref<125x80xi32, #tpu.memory_space<hbm>>
      tpu.wait_dma2 semaphore(%run_scoped3A : memref<!tpu.dma_semaphore, #tpu.memory_space<semaphore_mem>>) src(%dma_wait3A_21 : memref<125x80xi32, #tpu.memory_space<hbm>>) dst(%arg8 : memref<125x80xi32, #tpu.memory_space<vmem>>)
      tpu.yield
    }) : () -> ()
    %barrier3A = arith.constant 0 : index
    tpu.barrier barrier_id(%barrier3A)
    %scan3A = arith.constant 0 : i32
    %scan3A_3 = arith.constant 125 : i32
    %scan3A_4 = arith.addi %scan3A, %scan3A_3 : i32
    %scan3A_5 = arith.constant 1 : i32
    scf.for %scan3A_8 = %scan3A to %scan3A_4 step %scan3A_5  : i32 {
      %mul3A_9 = arith.constant 1 : i32
      %mul3A_10 = arith.muli %scan3A_8, %mul3A_9 : i32
      %add3A_11 = arith.constant 0 : i32
      %add3A_12 = arith.addi %add3A_11, %mul3A_10 : i32
      %dma_start3A = arith.constant 0 : i32
      %dma_start3A_13 = tpu.memref_slice %arg7[%add3A_12, %dma_start3A] : memref<125x80xi32, #tpu.memory_space<vmem>> -> memref<1x80xi32, #tpu.memory_space<vmem>>
      %dma_start3A_14 = tpu.memref_squeeze %dma_start3A_13 : memref<1x80xi32, #tpu.memory_space<vmem>> -> memref<80xi32, #tpu.memory_space<vmem>>
      %dma_start3A_15 = arith.constant 0 : i32
      %dma_start3A_16 = arith.constant 0 : i32
      %dma_start3A_17 = tpu.memref_slice %arg2[%dma_start3A_15, %dma_start3A_16] : memref<10240x128xf32, #tpu.memory_space<hbm>> -> memref<10240x128xf32, #tpu.memory_space<hbm>>
      tpu.enqueue_indirect_dma source(%dma_start3A_17 : memref<10240x128xf32, #tpu.memory_space<hbm>>) target(%arg9 : memref<80x128xf32, #tpu.memory_space<vmem>>) offsets(%dma_start3A_14 : memref<80xi32, #tpu.memory_space<vmem>>) semaphore(%arg11 : memref<!tpu.dma_semaphore, #tpu.memory_space<semaphore_mem>>)
      %dma_wait3A = arith.constant 0 : i32
      %dma_wait3A_18 = tpu.memref_slice %arg7[%add3A_12, %dma_wait3A] : memref<125x80xi32, #tpu.memory_space<vmem>> -> memref<1x80xi32, #tpu.memory_space<vmem>>
      %dma_wait3A_19 = tpu.memref_squeeze %dma_wait3A_18 : memref<1x80xi32, #tpu.memory_space<vmem>> -> memref<80xi32, #tpu.memory_space<vmem>>
      %dma_wait3A_20 = arith.constant 0 : i32
      %dma_wait3A_21 = arith.constant 0 : i32
      %dma_wait3A_22 = tpu.memref_slice %arg2[%dma_wait3A_20, %dma_wait3A_21] : memref<10240x128xf32, #tpu.memory_space<hbm>> -> memref<10240x128xf32, #tpu.memory_space<hbm>>
      tpu.wait_indirect_dma semaphore(%arg11 : memref<!tpu.dma_semaphore, #tpu.memory_space<semaphore_mem>>) src(%dma_wait3A_22 : memref<10240x128xf32, #tpu.memory_space<hbm>>) dst(%arg9 : memref<80x128xf32, #tpu.memory_space<vmem>>)
      "tpu.region"() ({
        %run_scoped3A = tpu.sem_alloc : memref<!tpu.dma_semaphore, #tpu.memory_space<semaphore_mem>>
        %dma_start3A_23 = arith.constant 0 : i32
        %dma_start3A_24 = tpu.memref_slice %arg8[%add3A_12, %dma_start3A_23] : memref<125x80xi32, #tpu.memory_space<vmem>> -> memref<1x80xi32, #tpu.memory_space<vmem>>
        %dma_start3A_25 = tpu.memref_squeeze %dma_start3A_24 : memref<1x80xi32, #tpu.memory_space<vmem>> -> memref<80xi32, #tpu.memory_space<vmem>>
        %dma_start3A_26 = arith.constant 0 : i32
        %dma_start3A_27 = arith.constant 0 : i32
        %dma_start3A_28 = tpu.memref_slice %arg10[%dma_start3A_26, %dma_start3A_27] : memref<10240x128xf32, #tpu.memory_space<vmem_shared>> -> memref<10240x128xf32, #tpu.memory_space<vmem_shared>>
        tpu.enqueue_indirect_dma source(%arg9 : memref<80x128xf32, #tpu.memory_space<vmem>>) target(%dma_start3A_28 : memref<10240x128xf32, #tpu.memory_space<vmem_shared>>) offsets(%dma_start3A_25 : memref<80xi32, #tpu.memory_space<vmem>>) semaphore(%run_scoped3A : memref<!tpu.dma_semaphore, #tpu.memory_space<semaphore_mem>>) {add = true}
        %dma_wait3A_29 = arith.constant 0 : i32
        %dma_wait3A_30 = tpu.memref_slice %arg8[%add3A_12, %dma_wait3A_29] : memref<125x80xi32, #tpu.memory_space<vmem>> -> memref<1x80xi32, #tpu.memory_space<vmem>>
        %dma_wait3A_31 = tpu.memref_squeeze %dma_wait3A_30 : memref<1x80xi32, #tpu.memory_space<vmem>> -> memref<80xi32, #tpu.memory_space<vmem>>
        %dma_wait3A_32 = arith.constant 0 : i32
        %dma_wait3A_33 = arith.constant 0 : i32
        %dma_wait3A_34 = tpu.memref_slice %arg10[%dma_wait3A_32, %dma_wait3A_33] : memref<10240x128xf32, #tpu.memory_space<vmem_shared>> -> memref<10240x128xf32, #tpu.memory_space<vmem_shared>>
        tpu.wait_indirect_dma semaphore(%run_scoped3A : memref<!tpu.dma_semaphore, #tpu.memory_space<semaphore_mem>>) src(%arg9 : memref<80x128xf32, #tpu.memory_space<vmem>>) dst(%dma_wait3A_34 : memref<10240x128xf32, #tpu.memory_space<vmem_shared>>)
        tpu.yield
      }) : () -> ()
    }
    %scan3A_6 = arith.constant 125 : i32
    %barrier3A_7 = arith.constant 0 : index
    tpu.barrier barrier_id(%barrier3A_7)
    "tpu.region"() ({
      %run_scoped3A = tpu.sem_alloc : memref<!tpu.dma_semaphore, #tpu.memory_space<semaphore_mem>>
      %dma_start3A = arith.constant 0 : i32
      %dma_start3A_8 = arith.constant 0 : i32
      %dma_start3A_9 = tpu.memref_slice %arg6[%arg0, %dma_start3A, %dma_start3A_8] : memref<2x10240x128xf32, #tpu.memory_space<hbm>> -> memref<1x10240x128xf32, #tpu.memory_space<hbm>>
      %dma_start3A_10 = tpu.memref_squeeze %dma_start3A_9 : memref<1x10240x128xf32, #tpu.memory_space<hbm>> -> memref<10240x128xf32, #tpu.memory_space<hbm>>
      %dma_start3A_11 = arith.constant 0 : i32
      %dma_start3A_12 = tpu.memref_slice %dma_start3A_10[%mul3A_0, %dma_start3A_11] : memref<10240x128xf32, #tpu.memory_space<hbm>> -> memref<640x128xf32, #tpu.memory_space<hbm>>
      %dma_start3A_13 = arith.constant 0 : i32
      %dma_start3A_14 = tpu.memref_slice %arg10[%mul3A_0, %dma_start3A_13] : memref<10240x128xf32, #tpu.memory_space<vmem_shared>> -> memref<640x128xf32, #tpu.memory_space<vmem_shared>>
      tpu.enqueue_dma source(%dma_start3A_14 : memref<640x128xf32, #tpu.memory_space<vmem_shared>>) target(%dma_start3A_12 : memref<640x128xf32, #tpu.memory_space<hbm>>) target_semaphore(%run_scoped3A : memref<!tpu.dma_semaphore, #tpu.memory_space<semaphore_mem>>)
      %dma_wait3A = arith.constant 0 : i32
      %dma_wait3A_15 = arith.constant 0 : i32
      %dma_wait3A_16 = tpu.memref_slice %arg6[%arg0, %dma_wait3A, %dma_wait3A_15] : memref<2x10240x128xf32, #tpu.memory_space<hbm>> -> memref<1x10240x128xf32, #tpu.memory_space<hbm>>
      %dma_wait3A_17 = tpu.memref_squeeze %dma_wait3A_16 : memref<1x10240x128xf32, #tpu.memory_space<hbm>> -> memref<10240x128xf32, #tpu.memory_space<hbm>>
      %dma_wait3A_18 = arith.constant 0 : i32
      %dma_wait3A_19 = tpu.memref_slice %dma_wait3A_17[%mul3A_0, %dma_wait3A_18] : memref<10240x128xf32, #tpu.memory_space<hbm>> -> memref<640x128xf32, #tpu.memory_space<hbm>>
      %dma_wait3A_20 = arith.constant 0 : i32
      %dma_wait3A_21 = tpu.memref_slice %arg10[%mul3A_0, %dma_wait3A_20] : memref<10240x128xf32, #tpu.memory_space<vmem_shared>> -> memref<640x128xf32, #tpu.memory_space<vmem_shared>>
      tpu.wait_dma2 semaphore(%run_scoped3A : memref<!tpu.dma_semaphore, #tpu.memory_space<semaphore_mem>>) src(%dma_wait3A_21 : memref<640x128xf32, #tpu.memory_space<vmem_shared>>) dst(%dma_wait3A_19 : memref<640x128xf32, #tpu.memory_space<hbm>>)
      tpu.yield
    }) : () -> ()
    return
  }
}

module attributes {stable_mosaic.version = 14 : i64} {
  func.func @_prep_body(%arg0: i32, %arg1: memref<2x1024x128xf32, #tpu.memory_space<vmem>>, %arg2: memref<1024x128xf32, #tpu.memory_space<vmem>>, %arg3: memref<128x128xf32, #tpu.memory_space<vmem>>, %arg4: memref<1024x128xf32, #tpu.memory_space<vmem>>, %arg5: memref<1024x128xf32, #tpu.memory_space<vmem>>) attributes {dimension_semantics = [#tpu.dimension_semantics<arbitrary>], iteration_bounds = array<i64: 10>, scalar_prefetch = 0 : i64, scratch_operands = 0 : i64, tpu.core_type = #tpu.core_type<tc>, window_params = [{transform_indices = @transform_0, window_bounds = array<i64: 2, 1024, 128>}, {transform_indices = @transform_1, window_bounds = array<i64: 1024, 128>}, {pipeline_mode = #tpu.pipeline_mode<synchronous>, transform_indices = @transform_2, window_bounds = array<i64: 128, 128>}, {transform_indices = @transform_3, window_bounds = array<i64: 1024, 128>}, {transform_indices = @transform_4, window_bounds = array<i64: 1024, 128>}]} {
    %get3A = arith.constant 0 : index
    %get3A_0 = arith.constant 0 : index
    %get3A_1 = arith.constant 0 : index
    %get3A_2 = vector.load %arg1[%get3A, %get3A_0, %get3A_1] : memref<2x1024x128xf32, #tpu.memory_space<vmem>>, vector<1x1024x128xf32>
    %get3A_3 = vector.shape_cast %get3A_2 : vector<1x1024x128xf32> to vector<1024x128xf32>
    %get3A_4 = arith.constant 1 : index
    %get3A_5 = arith.constant 0 : index
    %get3A_6 = arith.constant 0 : index
    %get3A_7 = vector.load %arg1[%get3A_4, %get3A_5, %get3A_6] : memref<2x1024x128xf32, #tpu.memory_space<vmem>>, vector<1x1024x128xf32>
    %get3A_8 = vector.shape_cast %get3A_7 : vector<1x1024x128xf32> to vector<1024x128xf32>
    %add3A = arith.addf %get3A_3, %get3A_8 : vector<1024x128xf32>
    %add3A_9 = arith.constant 1.000000e+00 : f32
    %add3A_10 = vector.broadcast %add3A_9 : f32 to vector<1024x128xf32>
    %add3A_11 = arith.addf %add3A, %add3A_10 : vector<1024x128xf32>
    %rsqrt3A = math.rsqrt %add3A_11 : vector<1024x128xf32>
    %get3A_12 = arith.constant 0 : index
    %get3A_13 = arith.constant 0 : index
    %get3A_14 = vector.load %arg2[%get3A_12, %get3A_13] : memref<1024x128xf32, #tpu.memory_space<vmem>>, vector<1024x128xf32>
    %get3A_15 = arith.constant 0 : index
    %get3A_16 = arith.constant 0 : index
    %get3A_17 = vector.load %arg3[%get3A_15, %get3A_16] : memref<128x128xf32, #tpu.memory_space<vmem>>, vector<128x128xf32>
    %dot_general3A = arith.constant dense<0.000000e+00> : vector<1024x128xf32>
    %dot_general3A_18 = tpu.matmul %get3A_14, %get3A_17, %dot_general3A {dimension_numbers = #tpu.dot_dimension_numbers<[1], [0], [0], [1], [0, 0, 1, 1], [], []>, precision = #tpu.contract_precision<fp32>, transpose_lhs_hint = false} : vector<1024x128xf32>, vector<128x128xf32>, vector<1024x128xf32> -> vector<1024x128xf32>
    %swap3A = arith.constant 0 : index
    %swap3A_19 = arith.constant 0 : index
    %swap3A_20 = vector.load %arg4[%swap3A, %swap3A_19] : memref<1024x128xf32, #tpu.memory_space<vmem>>, vector<1024x128xf32>
    tpu.vector_store %arg4[%swap3A, %swap3A_19], %rsqrt3A {strides = array<i32>} : memref<1024x128xf32, #tpu.memory_space<vmem>>, vector<1024x128xf32>,
    %mul3A = arith.mulf %dot_general3A_18, %rsqrt3A : vector<1024x128xf32>
    %swap3A_21 = arith.constant 0 : index
    %swap3A_22 = arith.constant 0 : index
    %swap3A_23 = vector.load %arg5[%swap3A_21, %swap3A_22] : memref<1024x128xf32, #tpu.memory_space<vmem>>, vector<1024x128xf32>
    tpu.vector_store %arg5[%swap3A_21, %swap3A_22], %mul3A {strides = array<i32>} : memref<1024x128xf32, #tpu.memory_space<vmem>>, vector<1024x128xf32>,
    return
  }
  func.func @transform_0(%arg0: i32) -> (i32, i32, i32) {
    %c0_i32 = arith.constant 0 : i32
    %c0_i32_0 = arith.constant 0 : i32
    %c0_i32_1 = arith.constant 0 : i32
    return %c0_i32, %arg0, %c0_i32_0 : i32, i32, i32
  }
  func.func @transform_1(%arg0: i32) -> (i32, i32) {
    %c0_i32 = arith.constant 0 : i32
    %c0_i32_0 = arith.constant 0 : i32
    return %arg0, %c0_i32 : i32, i32
  }
  func.func @transform_2(%arg0: i32) -> (i32, i32) {
    %c0_i32 = arith.constant 0 : i32
    %c0_i32_0 = arith.constant 0 : i32
    %c0_i32_1 = arith.constant 0 : i32
    return %c0_i32, %c0_i32_0 : i32, i32
  }
  func.func @transform_3(%arg0: i32) -> (i32, i32) {
    %c0_i32 = arith.constant 0 : i32
    %c0_i32_0 = arith.constant 0 : i32
    return %arg0, %c0_i32 : i32, i32
  }
  func.func @transform_4(%arg0: i32) -> (i32, i32) {
    %c0_i32 = arith.constant 0 : i32
    %c0_i32_0 = arith.constant 0 : i32
    return %arg0, %c0_i32 : i32, i32
  }
}

module attributes {stable_mosaic.version = 14 : i64} {
  func.func @_layer_body(%arg0: i32, %arg1: memref<2x1024x128xf32, #tpu.memory_space<vmem>>, %arg2: memref<1024x128xf32, #tpu.memory_space<vmem>>, %arg3: memref<1024x128xf32, #tpu.memory_space<vmem>>, %arg4: memref<1x128xf32, #tpu.memory_space<vmem>>, %arg5: memref<128x128xf32, #tpu.memory_space<vmem>>, %arg6: memref<1024x128xf32, #tpu.memory_space<vmem>>, %arg7: memref<1024x128xf32, #tpu.memory_space<vmem>>) attributes {dimension_semantics = [#tpu.dimension_semantics<arbitrary>], iteration_bounds = array<i64: 10>, scalar_prefetch = 0 : i64, scratch_operands = 0 : i64, tpu.core_type = #tpu.core_type<tc>, window_params = [{transform_indices = @transform_0, window_bounds = array<i64: 2, 1024, 128>}, {transform_indices = @transform_1, window_bounds = array<i64: 1024, 128>}, {transform_indices = @transform_2, window_bounds = array<i64: 1024, 128>}, {pipeline_mode = #tpu.pipeline_mode<synchronous>, transform_indices = @transform_3, window_bounds = array<i64: 1, 128>}, {pipeline_mode = #tpu.pipeline_mode<synchronous>, transform_indices = @transform_4, window_bounds = array<i64: 128, 128>}, {transform_indices = @transform_5, window_bounds = array<i64: 1024, 128>}, {transform_indices = @transform_6, window_bounds = array<i64: 1024, 128>}]} {
    %get3A = arith.constant 0 : index
    %get3A_0 = arith.constant 0 : index
    %get3A_1 = arith.constant 0 : index
    %get3A_2 = vector.load %arg1[%get3A, %get3A_0, %get3A_1] : memref<2x1024x128xf32, #tpu.memory_space<vmem>>, vector<1x1024x128xf32>
    %get3A_3 = vector.shape_cast %get3A_2 : vector<1x1024x128xf32> to vector<1024x128xf32>
    %get3A_4 = arith.constant 1 : index
    %get3A_5 = arith.constant 0 : index
    %get3A_6 = arith.constant 0 : index
    %get3A_7 = vector.load %arg1[%get3A_4, %get3A_5, %get3A_6] : memref<2x1024x128xf32, #tpu.memory_space<vmem>>, vector<1x1024x128xf32>
    %get3A_8 = vector.shape_cast %get3A_7 : vector<1x1024x128xf32> to vector<1024x128xf32>
    %add3A = arith.addf %get3A_3, %get3A_8 : vector<1024x128xf32>
    %get3A_9 = arith.constant 0 : index
    %get3A_10 = arith.constant 0 : index
    %get3A_11 = vector.load %arg3[%get3A_9, %get3A_10] : memref<1024x128xf32, #tpu.memory_space<vmem>>, vector<1024x128xf32>
    %get3A_12 = arith.constant 0 : index
    %get3A_13 = arith.constant 0 : index
    %get3A_14 = vector.load %arg2[%get3A_12, %get3A_13] : memref<1024x128xf32, #tpu.memory_space<vmem>>, vector<1024x128xf32>
    %add3A_15 = arith.addf %add3A, %get3A_14 : vector<1024x128xf32>
    %mul3A = arith.mulf %get3A_11, %add3A_15 : vector<1024x128xf32>
    %get3A_16 = arith.constant 0 : index
    %get3A_17 = arith.constant 0 : index
    %get3A_18 = vector.load %arg4[%get3A_16, %get3A_17] : memref<1x128xf32, #tpu.memory_space<vmem>>, vector<1x128xf32>
    %add3A_19 = vector.broadcast %get3A_18 : vector<1x128xf32> to vector<1024x128xf32>
    %add3A_20 = arith.addf %mul3A, %add3A_19 : vector<1024x128xf32>
    %max3A = arith.constant 0.000000e+00 : f32
    %max3A_21 = vector.broadcast %max3A : f32 to vector<1024x128xf32>
    %max3A_22 = arith.maximumf %add3A_20, %max3A_21 : vector<1024x128xf32>
    %swap3A = arith.constant 0 : index
    %swap3A_23 = arith.constant 0 : index
    %swap3A_24 = vector.load %arg6[%swap3A, %swap3A_23] : memref<1024x128xf32, #tpu.memory_space<vmem>>, vector<1024x128xf32>
    tpu.vector_store %arg6[%swap3A, %swap3A_23], %max3A_22 {strides = array<i32>} : memref<1024x128xf32, #tpu.memory_space<vmem>>, vector<1024x128xf32>,
    %get3A_25 = arith.constant 0 : index
    %get3A_26 = arith.constant 0 : index
    %get3A_27 = vector.load %arg5[%get3A_25, %get3A_26] : memref<128x128xf32, #tpu.memory_space<vmem>>, vector<128x128xf32>
    %dot_general3A = arith.constant dense<0.000000e+00> : vector<1024x128xf32>
    %dot_general3A_28 = tpu.matmul %max3A_22, %get3A_27, %dot_general3A {dimension_numbers = #tpu.dot_dimension_numbers<[1], [0], [0], [1], [0, 0, 1, 1], [], []>, precision = #tpu.contract_precision<fp32>, transpose_lhs_hint = false} : vector<1024x128xf32>, vector<128x128xf32>, vector<1024x128xf32> -> vector<1024x128xf32>
    %mul3A_29 = arith.mulf %dot_general3A_28, %get3A_11 : vector<1024x128xf32>
    %swap3A_30 = arith.constant 0 : index
    %swap3A_31 = arith.constant 0 : index
    %swap3A_32 = vector.load %arg7[%swap3A_30, %swap3A_31] : memref<1024x128xf32, #tpu.memory_space<vmem>>, vector<1024x128xf32>
    tpu.vector_store %arg7[%swap3A_30, %swap3A_31], %mul3A_29 {strides = array<i32>} : memref<1024x128xf32, #tpu.memory_space<vmem>>, vector<1024x128xf32>,
    return
  }
  func.func @transform_0(%arg0: i32) -> (i32, i32, i32) {
    %c0_i32 = arith.constant 0 : i32
    %c0_i32_0 = arith.constant 0 : i32
    %c0_i32_1 = arith.constant 0 : i32
    return %c0_i32, %arg0, %c0_i32_0 : i32, i32, i32
  }
  func.func @transform_1(%arg0: i32) -> (i32, i32) {
    %c0_i32 = arith.constant 0 : i32
    %c0_i32_0 = arith.constant 0 : i32
    return %arg0, %c0_i32 : i32, i32
  }
  func.func @transform_2(%arg0: i32) -> (i32, i32) {
    %c0_i32 = arith.constant 0 : i32
    %c0_i32_0 = arith.constant 0 : i32
    return %arg0, %c0_i32 : i32, i32
  }
  func.func @transform_3(%arg0: i32) -> (i32, i32) {
    %c0_i32 = arith.constant 0 : i32
    %c0_i32_0 = arith.constant 0 : i32
    %c0_i32_1 = arith.constant 0 : i32
    return %c0_i32, %c0_i32_0 : i32, i32
  }
  func.func @transform_4(%arg0: i32) -> (i32, i32) {
    %c0_i32 = arith.constant 0 : i32
    %c0_i32_0 = arith.constant 0 : i32
    %c0_i32_1 = arith.constant 0 : i32
    return %c0_i32, %c0_i32_0 : i32, i32
  }
  func.func @transform_5(%arg0: i32) -> (i32, i32) {
    %c0_i32 = arith.constant 0 : i32
    %c0_i32_0 = arith.constant 0 : i32
    return %arg0, %c0_i32 : i32, i32
  }
  func.func @transform_6(%arg0: i32) -> (i32, i32) {
    %c0_i32 = arith.constant 0 : i32
    %c0_i32_0 = arith.constant 0 : i32
    return %arg0, %c0_i32 : i32, i32
  }
}

module attributes {stable_mosaic.version = 14 : i64} {
  func.func @_final_body(%arg0: i32, %arg1: memref<2x1024x128xf32, #tpu.memory_space<vmem>>, %arg2: memref<1024x128xf32, #tpu.memory_space<vmem>>, %arg3: memref<1024x128xf32, #tpu.memory_space<vmem>>, %arg4: memref<1x128xf32, #tpu.memory_space<vmem>>, %arg5: memref<1024x128xf32, #tpu.memory_space<vmem>>, %arg6: memref<128x10xf32, #tpu.memory_space<vmem>>, %arg7: memref<1x10xf32, #tpu.memory_space<vmem>>, %arg8: memref<1024x128xf32, #tpu.memory_space<vmem>>, %arg9: memref<128x128xf32, #tpu.memory_space<vmem>>, %arg10: memref<128x10xf32, #tpu.memory_space<vmem>>, %arg11: memref<128x10xf32, #tpu.memory_space<vmem>>, %arg12: memref<128x128xf32, #tpu.memory_space<vmem>>, %arg13: memref<128x128xf32, #tpu.memory_space<vmem>>) attributes {dimension_semantics = [#tpu.dimension_semantics<arbitrary>], iteration_bounds = array<i64: 10>, scalar_prefetch = 0 : i64, scratch_operands = 2 : i64, tpu.core_type = #tpu.core_type<tc>, window_params = [{transform_indices = @transform_0, window_bounds = array<i64: 2, 1024, 128>}, {transform_indices = @transform_1, window_bounds = array<i64: 1024, 128>}, {transform_indices = @transform_2, window_bounds = array<i64: 1024, 128>}, {pipeline_mode = #tpu.pipeline_mode<synchronous>, transform_indices = @transform_3, window_bounds = array<i64: 1, 128>}, {transform_indices = @transform_4, window_bounds = array<i64: 1024, 128>}, {pipeline_mode = #tpu.pipeline_mode<synchronous>, transform_indices = @transform_5, window_bounds = array<i64: 128, 10>}, {pipeline_mode = #tpu.pipeline_mode<synchronous>, transform_indices = @transform_6, window_bounds = array<i64: 1, 10>}, {transform_indices = @transform_7, window_bounds = array<i64: 1024, 128>}, {pipeline_mode = #tpu.pipeline_mode<synchronous>, transform_indices = @transform_8, window_bounds = array<i64: 128, 128>}, {pipeline_mode = #tpu.pipeline_mode<synchronous>, transform_indices = @transform_9, window_bounds = array<i64: 128, 10>}, {pipeline_mode = #tpu.pipeline_mode<synchronous>, transform_indices = @transform_10, window_bounds = array<i64: 128, 10>}]} {
    %get3A = arith.constant 0 : index
    %get3A_0 = arith.constant 0 : index
    %get3A_1 = arith.constant 0 : index
    %get3A_2 = vector.load %arg1[%get3A, %get3A_0, %get3A_1] : memref<2x1024x128xf32, #tpu.memory_space<vmem>>, vector<1x1024x128xf32>
    %get3A_3 = vector.shape_cast %get3A_2 : vector<1x1024x128xf32> to vector<1024x128xf32>
    %get3A_4 = arith.constant 1 : index
    %get3A_5 = arith.constant 0 : index
    %get3A_6 = arith.constant 0 : index
    %get3A_7 = vector.load %arg1[%get3A_4, %get3A_5, %get3A_6] : memref<2x1024x128xf32, #tpu.memory_space<vmem>>, vector<1x1024x128xf32>
    %get3A_8 = vector.shape_cast %get3A_7 : vector<1x1024x128xf32> to vector<1024x128xf32>
    %add3A = arith.addf %get3A_3, %get3A_8 : vector<1024x128xf32>
    %get3A_9 = arith.constant 0 : index
    %get3A_10 = arith.constant 0 : index
    %get3A_11 = vector.load %arg3[%get3A_9, %get3A_10] : memref<1024x128xf32, #tpu.memory_space<vmem>>, vector<1024x128xf32>
    %get3A_12 = arith.constant 0 : index
    %get3A_13 = arith.constant 0 : index
    %get3A_14 = vector.load %arg2[%get3A_12, %get3A_13] : memref<1024x128xf32, #tpu.memory_space<vmem>>, vector<1024x128xf32>
    %add3A_15 = arith.addf %add3A, %get3A_14 : vector<1024x128xf32>
    %mul3A = arith.mulf %get3A_11, %add3A_15 : vector<1024x128xf32>
    %get3A_16 = arith.constant 0 : index
    %get3A_17 = arith.constant 0 : index
    %get3A_18 = vector.load %arg4[%get3A_16, %get3A_17] : memref<1x128xf32, #tpu.memory_space<vmem>>, vector<1x128xf32>
    %add3A_19 = vector.broadcast %get3A_18 : vector<1x128xf32> to vector<1024x128xf32>
    %add3A_20 = arith.addf %mul3A, %add3A_19 : vector<1024x128xf32>
    %max3A = arith.constant 0.000000e+00 : f32
    %max3A_21 = vector.broadcast %max3A : f32 to vector<1024x128xf32>
    %max3A_22 = arith.maximumf %add3A_20, %max3A_21 : vector<1024x128xf32>
    %swap3A = arith.constant 0 : index
    %swap3A_23 = arith.constant 0 : index
    %swap3A_24 = vector.load %arg8[%swap3A, %swap3A_23] : memref<1024x128xf32, #tpu.memory_space<vmem>>, vector<1024x128xf32>
    tpu.vector_store %arg8[%swap3A, %swap3A_23], %max3A_22 {strides = array<i32>} : memref<1024x128xf32, #tpu.memory_space<vmem>>, vector<1024x128xf32>,
    %eq3A = arith.constant 0 : i32
    %eq3A_25 = arith.cmpi eq, %arg0, %eq3A : i32
    %convert_element_type3A = arith.extui %eq3A_25 : i1 to i32
    %cond3A = arith.constant 0 : i32
    %cond3A_26 = arith.cmpi ne, %convert_element_type3A, %cond3A : i32
    scf.if %cond3A_26 {
      %broadcast_in_dim3A_57 = arith.constant 0.000000e+00 : f32
      %broadcast_in_dim3A_58 = vector.broadcast %broadcast_in_dim3A_57 : f32 to vector<128x128xf32>
      %swap3A_59 = arith.constant 0 : index
      %swap3A_60 = arith.constant 0 : index
      %swap3A_61 = vector.load %arg12[%swap3A_59, %swap3A_60] : memref<128x128xf32, #tpu.memory_space<vmem>>, vector<128x128xf32>
      tpu.vector_store %arg12[%swap3A_59, %swap3A_60], %broadcast_in_dim3A_58 {strides = array<i32>} : memref<128x128xf32, #tpu.memory_space<vmem>>, vector<128x128xf32>,
      %broadcast_in_dim3A_62 = arith.constant 0.000000e+00 : f32
      %broadcast_in_dim3A_63 = vector.broadcast %broadcast_in_dim3A_62 : f32 to vector<128x128xf32>
      %swap3A_64 = arith.constant 0 : index
      %swap3A_65 = arith.constant 0 : index
      %swap3A_66 = vector.load %arg13[%swap3A_64, %swap3A_65] : memref<128x128xf32, #tpu.memory_space<vmem>>, vector<128x128xf32>
      tpu.vector_store %arg13[%swap3A_64, %swap3A_65], %broadcast_in_dim3A_63 {strides = array<i32>} : memref<128x128xf32, #tpu.memory_space<vmem>>, vector<128x128xf32>,
    } else {
    }
    %iota3A = tpu.iota {dimensions = array<i32: 1>} : vector<1024x128xi32>
    %convert_element_type3A_27 = arith.sitofp %iota3A : vector<1024x128xi32> to vector<1024x128xf32>
    %get3A_28 = arith.constant 0 : index
    %get3A_29 = arith.constant 0 : index
    %get3A_30 = vector.load %arg5[%get3A_28, %get3A_29] : memref<1024x128xf32, #tpu.memory_space<vmem>>, vector<1024x128xf32>
    %eq3A_31 = arith.cmpf oeq, %get3A_30, %convert_element_type3A_27 : vector<1024x128xf32>
    %convert_element_type3A_32 = arith.extui %eq3A_31 : vector<1024x128xi1> to vector<1024x128xi32>
    %convert_element_type3A_33 = arith.sitofp %convert_element_type3A_32 : vector<1024x128xi32> to vector<1024x128xf32>
    %get3A_34 = arith.constant 0 : index
    %get3A_35 = arith.constant 0 : index
    %get3A_36 = vector.load %arg12[%get3A_34, %get3A_35] : memref<128x128xf32, #tpu.memory_space<vmem>>, vector<128x128xf32>
    %dot_general3A = arith.constant dense<0.000000e+00> : vector<128x128xf32>
    %dot_general3A_37 = tpu.matmul %convert_element_type3A_33, %max3A_22, %dot_general3A {dimension_numbers = #tpu.dot_dimension_numbers<[0], [0], [1], [1], [0, 1, 1, 1], [], []>, precision = #tpu.contract_precision<fp32>, transpose_lhs_hint = false} : vector<1024x128xf32>, vector<1024x128xf32>, vector<128x128xf32> -> vector<128x128xf32>
    %add3A_38 = arith.addf %get3A_36, %dot_general3A_37 : vector<128x128xf32>
    %swap3A_39 = arith.constant 0 : index
    %swap3A_40 = arith.constant 0 : index
    %swap3A_41 = vector.load %arg12[%swap3A_39, %swap3A_40] : memref<128x128xf32, #tpu.memory_space<vmem>>, vector<128x128xf32>
    tpu.vector_store %arg12[%swap3A_39, %swap3A_40], %add3A_38 {strides = array<i32>} : memref<128x128xf32, #tpu.memory_space<vmem>>, vector<128x128xf32>,
    %get3A_42 = arith.constant 0 : index
    %get3A_43 = arith.constant 0 : index
    %get3A_44 = vector.load %arg13[%get3A_42, %get3A_43] : memref<128x128xf32, #tpu.memory_space<vmem>>, vector<128x128xf32>
    %broadcast_in_dim3A = arith.constant 1.000000e+00 : f32
    %broadcast_in_dim3A_45 = vector.broadcast %broadcast_in_dim3A : f32 to vector<1024x128xf32>
    %dot_general3A_46 = arith.constant dense<0.000000e+00> : vector<128x128xf32>
    %dot_general3A_47 = tpu.matmul %convert_element_type3A_33, %broadcast_in_dim3A_45, %dot_general3A_46 {dimension_numbers = #tpu.dot_dimension_numbers<[0], [0], [1], [1], [0, 1, 1, 1], [], []>, precision = #tpu.contract_precision<fp32>, transpose_lhs_hint = false} : vector<1024x128xf32>, vector<1024x128xf32>, vector<128x128xf32> -> vector<128x128xf32>
    %add3A_48 = arith.addf %get3A_44, %dot_general3A_47 : vector<128x128xf32>
    %swap3A_49 = arith.constant 0 : index
    %swap3A_50 = arith.constant 0 : index
    %swap3A_51 = vector.load %arg13[%swap3A_49, %swap3A_50] : memref<128x128xf32, #tpu.memory_space<vmem>>, vector<128x128xf32>
    tpu.vector_store %arg13[%swap3A_49, %swap3A_50], %add3A_48 {strides = array<i32>} : memref<128x128xf32, #tpu.memory_space<vmem>>, vector<128x128xf32>,
    %eq3A_52 = arith.constant 9 : i32
    %eq3A_53 = arith.cmpi eq, %arg0, %eq3A_52 : i32
    %convert_element_type3A_54 = arith.extui %eq3A_53 : i1 to i32
    %cond3A_55 = arith.constant 0 : i32
    %cond3A_56 = arith.cmpi ne, %convert_element_type3A_54, %cond3A_55 : i32
    scf.if %cond3A_56 {
      %get3A_57 = arith.constant 0 : index
      %get3A_58 = arith.constant 0 : index
      %get3A_59 = vector.load %arg12[%get3A_57, %get3A_58] : memref<128x128xf32, #tpu.memory_space<vmem>>, vector<128x128xf32>
      %get3A_60 = arith.constant 0 : index
      %get3A_61 = arith.constant 0 : index
      %get3A_62 = vector.load %arg13[%get3A_60, %get3A_61] : memref<128x128xf32, #tpu.memory_space<vmem>>, vector<128x128xf32>
      %max3A_63 = arith.constant 1.000000e+00 : f32
      %max3A_64 = vector.broadcast %max3A_63 : f32 to vector<128x128xf32>
      %max3A_65 = arith.maximumf %get3A_62, %max3A_64 : vector<128x128xf32>
      %div3A = arith.divf %get3A_59, %max3A_65 : vector<128x128xf32>
      %swap3A_66 = arith.constant 0 : index
      %swap3A_67 = arith.constant 0 : index
      %swap3A_68 = vector.load %arg9[%swap3A_66, %swap3A_67] : memref<128x128xf32, #tpu.memory_space<vmem>>, vector<128x128xf32>
      tpu.vector_store %arg9[%swap3A_66, %swap3A_67], %div3A {strides = array<i32>} : memref<128x128xf32, #tpu.memory_space<vmem>>, vector<128x128xf32>,
      %get3A_69 = arith.constant 0 : index
      %get3A_70 = arith.constant 0 : index
      %get3A_71 = vector.load %arg6[%get3A_69, %get3A_70] : memref<128x10xf32, #tpu.memory_space<vmem>>, vector<128x10xf32>
      %dot_general3A_72 = arith.constant dense<0.000000e+00> : vector<128x10xf32>
      %dot_general3A_73 = tpu.matmul %div3A, %get3A_71, %dot_general3A_72 {dimension_numbers = #tpu.dot_dimension_numbers<[1], [0], [0], [1], [0, 0, 1, 1], [], []>, precision = #tpu.contract_precision<fp32>, transpose_lhs_hint = false} : vector<128x128xf32>, vector<128x10xf32>, vector<128x10xf32> -> vector<128x10xf32>
      %get3A_74 = arith.constant 0 : index
      %get3A_75 = arith.constant 0 : index
      %get3A_76 = vector.load %arg7[%get3A_74, %get3A_75] : memref<1x10xf32, #tpu.memory_space<vmem>>, vector<1x10xf32>
      %add3A_77 = vector.broadcast %get3A_76 : vector<1x10xf32> to vector<128x10xf32>
      %add3A_78 = arith.addf %dot_general3A_73, %add3A_77 : vector<128x10xf32>
      %max3A_79 = arith.constant 0.000000e+00 : f32
      %max3A_80 = vector.broadcast %max3A_79 : f32 to vector<128x10xf32>
      %max3A_81 = arith.maximumf %add3A_78, %max3A_80 : vector<128x10xf32>
      %swap3A_82 = arith.constant 0 : index
      %swap3A_83 = arith.constant 0 : index
      %swap3A_84 = vector.load %arg10[%swap3A_82, %swap3A_83] : memref<128x10xf32, #tpu.memory_space<vmem>>, vector<128x10xf32>
      tpu.vector_store %arg10[%swap3A_82, %swap3A_83], %max3A_81 {strides = array<i32>} : memref<128x10xf32, #tpu.memory_space<vmem>>, vector<128x10xf32>,
      %reduce_max3A = arith.constant dense<0xFF800000> : vector<128xf32>
      %reduce_max3A_85 = vector.multi_reduction <maximumf>, %max3A_81, %reduce_max3A [1] : vector<128x10xf32> to vector<128xf32>
      %broadcast_in_dim3A_86 = vector.shape_cast %reduce_max3A_85 : vector<128xf32> to vector<128x1xf32>
      %sub3A = vector.broadcast %broadcast_in_dim3A_86 : vector<128x1xf32> to vector<128x10xf32>
      %sub3A_87 = arith.subf %max3A_81, %sub3A : vector<128x10xf32>
      %exp3A = math.exp %sub3A_87 : vector<128x10xf32>
      %reduce_sum3A = arith.constant dense<0.000000e+00> : vector<128xf32>
      %reduce_sum3A_88 = vector.multi_reduction <add>, %exp3A, %reduce_sum3A [1] : vector<128x10xf32> to vector<128xf32>
      %broadcast_in_dim3A_89 = vector.shape_cast %reduce_sum3A_88 : vector<128xf32> to vector<128x1xf32>
      %div3A_90 = vector.broadcast %broadcast_in_dim3A_89 : vector<128x1xf32> to vector<128x10xf32>
      %div3A_91 = arith.divf %exp3A, %div3A_90 : vector<128x10xf32>
      %swap3A_92 = arith.constant 0 : index
      %swap3A_93 = arith.constant 0 : index
      %swap3A_94 = vector.load %arg11[%swap3A_92, %swap3A_93] : memref<128x10xf32, #tpu.memory_space<vmem>>, vector<128x10xf32>
      tpu.vector_store %arg11[%swap3A_92, %swap3A_93], %div3A_91 {strides = array<i32>} : memref<128x10xf32, #tpu.memory_space<vmem>>, vector<128x10xf32>,
    } else {
    }
    return
  }
  func.func @transform_0(%arg0: i32) -> (i32, i32, i32) {
    %c0_i32 = arith.constant 0 : i32
    %c0_i32_0 = arith.constant 0 : i32
    %c0_i32_1 = arith.constant 0 : i32
    return %c0_i32, %arg0, %c0_i32_0 : i32, i32, i32
  }
  func.func @transform_1(%arg0: i32) -> (i32, i32) {
    %c0_i32 = arith.constant 0 : i32
    %c0_i32_0 = arith.constant 0 : i32
    return %arg0, %c0_i32 : i32, i32
  }
  func.func @transform_2(%arg0: i32) -> (i32, i32) {
    %c0_i32 = arith.constant 0 : i32
    %c0_i32_0 = arith.constant 0 : i32
    return %arg0, %c0_i32 : i32, i32
  }
  func.func @transform_3(%arg0: i32) -> (i32, i32) {
    %c0_i32 = arith.constant 0 : i32
    %c0_i32_0 = arith.constant 0 : i32
    %c0_i32_1 = arith.constant 0 : i32
    return %c0_i32, %c0_i32_0 : i32, i32
  }
  func.func @transform_4(%arg0: i32) -> (i32, i32) {
    %c0_i32 = arith.constant 0 : i32
    %c0_i32_0 = arith.constant 0 : i32
    return %arg0, %c0_i32 : i32, i32
  }
  func.func @transform_5(%arg0: i32) -> (i32, i32) {
    %c0_i32 = arith.constant 0 : i32
    %c0_i32_0 = arith.constant 0 : i32
    %c0_i32_1 = arith.constant 0 : i32
    return %c0_i32, %c0_i32_0 : i32, i32
  }
  func.func @transform_6(%arg0: i32) -> (i32, i32) {
    %c0_i32 = arith.constant 0 : i32
    %c0_i32_0 = arith.constant 0 : i32
    %c0_i32_1 = arith.constant 0 : i32
    return %c0_i32, %c0_i32_0 : i32, i32
  }
  func.func @transform_7(%arg0: i32) -> (i32, i32) {
    %c0_i32 = arith.constant 0 : i32
    %c0_i32_0 = arith.constant 0 : i32
    return %arg0, %c0_i32 : i32, i32
  }
  func.func @transform_8(%arg0: i32) -> (i32, i32) {
    %c0_i32 = arith.constant 0 : i32
    %c0_i32_0 = arith.constant 0 : i32
    %c0_i32_1 = arith.constant 0 : i32
    return %c0_i32, %c0_i32_0 : i32, i32
  }
  func.func @transform_9(%arg0: i32) -> (i32, i32) {
    %c0_i32 = arith.constant 0 : i32
    %c0_i32_0 = arith.constant 0 : i32
    %c0_i32_1 = arith.constant 0 : i32
    return %c0_i32, %c0_i32_0 : i32, i32
  }
  func.func @transform_10(%arg0: i32) -> (i32, i32) {
    %c0_i32 = arith.constant 0 : i32
    %c0_i32_0 = arith.constant 0 : i32
    %c0_i32_1 = arith.constant 0 : i32
    return %c0_i32, %c0_i32_0 : i32, i32
  }
}

</mosaic_0001>

<sc_bundles>
// kernel: kernel.10.cloned.1.call-start
scs
__scs_entry_jumppad:
0x0: {  	(pc) =	sbr.rel $0x88, $3  }
0x1: {  	(tag) =	ssettag $0x0;
	lr =	simm.s32 $0x1  }
0x2: {  	[smem:$0x3F96] =	sst lr;
	_ =	strace $0xD0000000  }
0x3: {  	_ = 	snop  }
0x4: {  	_ = 	snop  }
0x5: {  	_ = 	snop  }
0x6: {  	_ = 	snop  }
0x7: {  	_ = 	snop  }
__scs_overlays_trampoline_lowered:
0x8: {  	[smem:$0x3FA5] =	sst s0  }
0x9: {  	[smem:$0x3FA6] =	sst s1  }
0xa: {  	[smem:$0x3FA7] =	sst s2  }
0xb: {  	[smem:$0x3FA8] =	sst s3  }
0xc: {  	[smem:$0x3FA9] =	sst s4  }
0xd: {  	[smem:$0x3FAA] =	sst s5  }
0xe: {  	[smem:$0x3FAB] =	sst s6  }
0xf: {  	[smem:$0x3FAC] =	sst s7  }
0x10: {  	[smem:$0x3FAD] =	sst s8  }
0x11: {  	[smem:$0x3FAE] =	sst s9;
	s0 =	simm.s32 @!p0 $0x0  }
0x12: {  	s1 =	sld [smem:$0x3F94];
	s0 =	simm.s32 @p0 $0x1  }
0x13: {  	[smem:$0x3FAF] =	sst s0;
	s0 =	simm.s32 @!p1 $0x0  }
0x14: {  	s2 =	sld [smem:$0x3F93];
	s0 =	simm.s32 @p1 $0x1  }
0x15: {  	[smem:$0x3FB0] =	sst s0;
	s0 =	simm.s32 @!p2 $0x0  }
0x16: {  	s3 =	sld [smem:$0x3FDB];
	s0 =	simm.s32 @p2 $0x1  }
0x17: {  	s4 =	simm.s32 $0x1BF5;
	[smem:$0x3FB2] =	sst s0  }
0x18: {  	s0 =	sld [smem:$0x3F95];
	_ =	swait.ge [sflag:s4], $0x0  }
0x19: {  	s7 =	sld [smem:$0x3F96]  }
0x1a: {  	s8 =	sadd.s32 $0xFFFFE003, lr  }
0x1b: {  	s9 =	sadd.s32 $0xFFFFFEF7, lr;
	s5 =	simm.s32 $0xFFFFFFFF;
	p2 =	slt.u32 s8, $0xFFFFF086  }
0x1c: {  	p1 =	slt.u32 s9, $0xF7A;
	s5 =	simm.s32 @!p2 $0x0  }
0x1d: {  	s5 =	simm.s32 @p1 $0x1;
	p0 =	seq.s32 s7, s2  }
0x1e: {  	s7 =	smul.u32 @!p0 $0xF7A, s2;
	p2 =	seq.s32 @!p0 s5, $0x0  }
0x1f: {  	s9 =	smul.u32 $0xF7A, s1;
	s8 =	simm.s32 @!p0 $0x1BF5;
	p2 =	por !p2, p0  }
0x20: {  	[sflag:s8] =	ssyncset.s32 @!p0 $0xFFFFF086;
	s6 =	sadd.s32 @!p0 s3, s7;
	s7 =	simm.s32 @!p0 $0x108  }
0x21: {  	s3 =	sadd.s32 s3, s9;
	s6 =	sadd.s32 @!p0 $0x88, s6;
	s7 =	simm.s32 @p2 $0x1082  }
0x22: {  	[simem:s7], [sflag:s8] =	dma.local @!p0 [hbm:s6], $0xF7A  }
0x23: {  	s9 =	sor.u32 $0xD0000000, s2;
	s6 =	simm.s32 $0x108;
	_ =	swait.ge @!p0 [sflag:s8], $0x0  }
0x24: {  	s3 =	sadd.s32 $0x88, s3;
	s6 =	simm.s32 @!p1 $0x1082;
	[sflag:s4] =	ssyncset.s32 $0xFFFFF086  }
0x25: {  	[simem:s6], [sflag:s4] =	dma.local [hbm:s3], $0xF7A  }
0x26: {  	[smem:$0x3F96] =	sst s1;
	(tag) =	ssettag s2;
	_ =	strace s9  }
0x27: {  	s1 =	sld [smem:$0x3FA6]  }
0x28: {  	s2 =	sld [smem:$0x3FA7]  }
0x29: {  	s4 =	sld [smem:$0x3FA9]  }
0x2a: {  	p0 =	seq.s32 s5, $0x0;
	s5 =	sld [smem:$0x3FAA]  }
0x2b: {  	s6 =	sld [smem:$0x3FAB]  }
0x2c: {  	s7 =	sld [smem:$0x3FAC]  }
0x2d: {  	s3 =	simm.s32 $0x108;
	s8 =	sld [smem:$0x3FAD]  }
0x2e: {  	s3 =	simm.s32 @!p0 $0x1082;
	s9 =	sld [smem:$0x3FAE]  }
0x2f: {  	lr =	sadd.s32 s0, s3;
	s0 =	sld [smem:$0x3FA5]  }
0x30: {  	s3 =	sld [smem:$0x3FA8]  }
0x31: {  	[smem:$0x3FB1] =	sst s10  }
0x32: {  	s10 =	sld [smem:$0x3FAF];
	_ =	sdelay $0x3  }
0x33: {  	p0 =	seq.s32 s10, $0x1;
	s10 =	sld [smem:$0x3FB1];
	_ =	sdelay $0x3  }
0x34: {  	[smem:$0x3FB1] =	sst s10  }
0x35: {  	s10 =	sld [smem:$0x3FB0];
	_ =	sdelay $0x3  }
0x36: {  	p1 =	seq.s32 s10, $0x1;
	s10 =	sld [smem:$0x3FB1];
	_ =	sdelay $0x3  }
0x37: {  	[smem:$0x3FB1] =	sst s10  }
0x38: {  	s10 =	sld [smem:$0x3FB2]  }
0x39: {  	_ = 	snop;
	(pc) =	sbr.ind lr, $3  }
0x3a: {  	_ = 	snop  }
0x3b: {  	_ = 	snop  }
0x3c: {  	p2 =	seq.s32 s10, $0x1;
	s10 =	sld [smem:$0x3FB1]  }
0x3d: {  	_ =	shalt  }
0x3e: {  	_ =	shalt  }
0x3f: {  	_ =	shalt  }
0x40: {  	_ =	shalt  }
0x41: {  	_ =	shalt  }
0x42: {  	_ =	shalt  }
0x43: {  	_ =	shalt  }
0x44: {  	_ =	shalt  }
0x45: {  	_ =	shalt  }
0x46: {  	_ =	shalt  }
0x47: {  	_ =	shalt  }
0x48: {  	_ =	shalt  }
0x49: {  	_ =	shalt  }
0x4a: {  	_ =	shalt  }
0x4b: {  	_ =	shalt  }
0x4c: {  	_ =	shalt  }
0x4d: {  	_ =	shalt  }
0x4e: {  	_ =	shalt  }
0x4f: {  	_ =	shalt  }
0x50: {  	_ =	shalt  }
0x51: {  	_ =	shalt  }
0x52: {  	_ =	shalt  }
0x53: {  	_ =	shalt  }
0x54: {  	_ =	shalt  }
0x55: {  	_ =	shalt  }
0x56: {  	_ =	shalt  }
0x57: {  	_ =	shalt  }
0x58: {  	_ =	shalt  }
0x59: {  	_ =	shalt  }
0x5a: {  	_ =	shalt  }
0x5b: {  	_ =	shalt  }
0x5c: {  	_ =	shalt  }
0x5d: {  	_ =	shalt  }
0x5e: {  	_ =	shalt  }
0x5f: {  	_ =	shalt  }
0x60: {  	_ =	shalt  }
0x61: {  	_ =	shalt  }
0x62: {  	_ =	shalt  }
0x63: {  	_ =	shalt  }
0x64: {  	_ =	shalt  }
0x65: {  	_ =	shalt  }
0x66: {  	_ =	shalt  }
0x67: {  	_ =	shalt  }
0x68: {  	_ =	shalt  }
0x69: {  	_ =	shalt  }
0x6a: {  	_ =	shalt  }
0x6b: {  	_ =	shalt  }
0x6c: {  	_ =	shalt  }
0x6d: {  	_ =	shalt  }
0x6e: {  	_ =	shalt  }
0x6f: {  	_ =	shalt  }
0x70: {  	_ =	shalt  }
0x71: {  	_ =	shalt  }
0x72: {  	_ =	shalt  }
0x73: {  	_ =	shalt  }
0x74: {  	_ =	shalt  }
0x75: {  	_ =	shalt  }
0x76: {  	_ =	shalt  }
0x77: {  	_ =	shalt  }
0x78: {  	_ =	shalt  }
0x79: {  	_ =	shalt  }
0x7a: {  	_ =	shalt  }
0x7b: {  	_ =	shalt  }
0x7c: {  	_ =	shalt  }
0x7d: {  	_ =	shalt  }
0x7e: {  	_ =	shalt  }
0x7f: {  	_ =	shalt  }
0x80: {  	_ =	shalt  }
0x81: {  	_ =	shalt  }
0x82: {  	_ =	shalt  }
0x83: {  	_ =	shalt  }
0x84: {  	_ =	shalt  }
0x85: {  	_ =	shalt  }
0x86: {  	_ =	shalt  }
0x87: {  	_ =	shalt  }
.Lfunc_end0:
.L_simem_size_0:
called_computation_lowered:
.L_overlay_start_0:
0x88: {  	s2 =	sld [smem:$0x3FD9]  }
0x89: {  	s3 =	sld [smem:$0x3FFE];
	_ =	sdelay $0x1  }
0x8a: {  	s1 =	srdreg.scid  }
0x8b: {  	s0 =	sand.u32 $0x1, s1  }
0x8c: {  	s14 =	sshll.u32 s0, $0xA;
	s2 =	sadd.s32 s3, s2  }
0x8d: {  	s2 =	sadd.s32 s2, s14  }
0x8e: {  	[smem:$0x3FBD] =	sst s2  }
0x8f: {  	_ = 	snop  }
0x90: {  	s2 =	sld [smem:$0x3FD0];
	_ =	sdelay $0x2  }
0x91: {  	s15 =	simm.s32 $0xA;
	s4 =	simm.s32 $0x10  }
0x92: {  	[smem:s4], [sflag:s15] =	dma.local [hbm:s2], $0x1  }
0x93: {  	_ =	swait.eq [sflag:s15], $0x1  }
0x94: {  	[sflag:s15] =	ssyncset.done $0x0  }
0x95: {  	s16 =	sld [smem:$0x12];
	[sflag:s15] =	ssyncadd.s32 $0xFFFFFFFF  }
0x96: {  	s17 =	sld [smem:$0x13];
	(tm) =	ssettm $0x1  }
0x97: {  	s18 =	sld [smem:$0x3FFB];
	_ =	sdelay $0x3  }
0x98: {  	_ =	strace s18  }
0x99: {  	s4 =	sld [smem:$0x3FFC];
	_ =	sdelay $0x3  }
0x9a: {  	_ =	strace s4  }
0x9b: {  	s4 =	sld [smem:$0x3FFD];
	_ =	sdelay $0x3  }
0x9c: {  	_ =	strace s4  }
0x9d: {  	_ =	strace $0x8FFFFFFF  }
0x9e: {  	s19 =	sld [smem:$0x3FDB];
	_ =	sdelay $0x1  }
0x9f: {  	s5 =	simm.s32 $_scs_section_size  }
0xa0: {  	s6 =	simm.s32 $_size__tile_overlayer_lowered;
	s7 =	simm.s32 $_tile_overlayer_lowered  }
0xa1: {  	s22 =	simm.s32 $0x1BFF;
	s21 =	sshll.u32 s7, $0x1;
	s4 =	sadd.s32 s5, s19  }
0xa2: {  	s8 =	simm.s32 $0x0;
	s20 =	sshll.u32 s6, $0x1;
	s6 =	sadd.s32 s21, s4  }
0xa3: {  	[timem:s8], [sflag:s22] =	dma.local [hbm:s6], s20  }
0xa4: {  	_ =	swait.ge [sflag:s22], s20  }
0xa5: {  	s5 =	ssub.s32 $0x0, s20;
	[sflag:s22] =	ssyncset.done $0x0  }
0xa6: {  	[sflag:s22] =	ssyncadd.s32 s5;
	_ =	sdelay $0x1  }
0xa7: {  	s23 =	simm.s32 $0x1B8B  }
0xa8: {  	_ =	swait.ge [sflag:s23], $0x1  }
0xa9: {  	[sflag:s23] =	ssyncset.done $0x0  }
0xaa: {  	s25 =	simm.s32 $0x1B8E;
	s24 =	sld [smem:$0x3FFE];
	[sflag:s23] =	ssyncadd.s32 $0xFFFFFFFF  }
0xab: {  	s26 =	simm.s32 $execute0_lowered;
	[smem:$0x3FD2] =	sst s25  }
0xac: {  	s6 =	sshll.u32 s26, $0x1;
	_ =	strace $0x80000046;
	[dreg:$0x1] =	wrdreg $0xFFFFFFFF  }
0xad: {  	s28 =	simm.s32 $_size_execute0_lowered;
	s4 =	sadd.s32 s4, s6;
	[dreg:$0x0] =	wrdreg $0x0  }
0xae: {  	s6 =	sshll.u32 s28, $0x1;
	[dreg:$0x2] =	wrdreg s4  }
0xaf: {  	[dreg:$0x3] =	wrdreg s6  }
0xb0: {  	[dreg:$0x4] =	wrdreg $0xC0  }
0xb1: {  	_ =	task [dreg:s8], $0x5FFFF  }
0xb2: {  	[dreg:$0x1] =	wrdreg $0xFFFFFFFF  }
0xb3: {  	[dreg:$0x0] =	wrdreg $0x60  }
0xb4: {  	[dreg:$0x2] =	wrdreg s16  }
0xb5: {  	[dreg:$0x3] =	wrdreg s24  }
0xb6: {  	[dreg:$0x4] =	wrdreg s17  }
0xb7: {  	[dreg:$0x5] =	wrdreg $0x68000  }
0xb8: {  	[dreg:$0x6] =	wrdreg $0x9  }
0xb9: {  	_ =	task.clear_ibuf [dreg:s8], $0x7FFFF;
	_ =	strace $0x90000046  }
0xba: {  	s29 =	simm.s32 $0x9;
	_ =	strace $0x80000048  }
0xbb: {  	_ =	swait.ge [sflag:s29], $0x1  }
0xbc: {  	[sflag:s29] =	ssyncadd.s32 $0xFFFFFFFF  }
0xbd: {  	_ =	strace $0x90000048  }
0xbe: {  	_ =	sfence  }
0xbf: {  	s30 =	sld [smem:$0x0];
	_ =	sdelay $0x2  }
0xc0: {  	s31 =	sshll.u32 s1, $0xD;
	s1 =	sshrl.u32 s1, $0x2  }
0xc1: {  	s3 =	sand.u32 $0x4000, s31;
	s1 =	sadd.s32 s1, s30  }
0xc2: {  	s0 =	sor.u32 s3, s0;
	s1 =	sshll.u32 s1, $0x11  }
0xc3: {  	s0 =	sor.u32 s1, s0  }
0xc4: {  	s0 =	sadd.s32 $0x8F2B, s0  }
0xc5: {  	[sflag:s0] =	ssyncadd.remote.s32 $0x1  }
0xc6: {  	_ =	sfence.sel $0xFFFF  }
0xc7: {  	[dreg:$0x0] =	wrdreg $0xFFFFFFFF;
	(pc) =	sbr.abs _section_cstart, $3  }
0xc8: {  	[dreg:$0x1] =	wrdreg $0xFFFFFFFF  }
0xc9: {  	_ =	task.clear_ibuf [dreg:s8], $0x2FFFF;
	_ =	strace $0x9FFFFFFF  }
0xca: {  	(tm) =	ssettm $0x7FFFFFFF  }
0xcb: {  	_ =	shalt  }
tec
execute0_lowered:
.L_overlay_start_1:
0x0: {  	(tag) =	ssettag $0x1  }
0x1: {  	s6 =	rddreg [dreg:$0x0]  }
0x2: {  	s7 =	rddreg [dreg:$0x1]  }
0x3: {  	s1 =	rddreg [dreg:$0x2]  }
0x4: {  	s2 =	rddreg [dreg:$0x3]  }
0x5: {  	s0 =	rddreg [dreg:$0x4];
	s3 =	simm.s32 $0x0  }
0x6: {  	s4 =	srdreg.scid;
	[smem:$0x7FF] =	sst s3  }
0x7: {  	s8 =	sand.u32 $0x1, s4;
	s4 =	stileid.u32;
	s5 =	sadd.s32 $0x3C00, s7  }
0x8: {  	s9 =	smul.u32 $0x28000, s8;
	_ =	strace $0x80000047;
	s10 =	ssub.s32 $0x2, s8  }
0x9: {  	s11 =	smul.u32 $0x50000, s4;
	s31 =	sshll.u32 s4, $0xB;
	s12 =	sshll.u32 s4, $0x6  }
0xa: {  	s8 =	sshll.u32 s8, $0xF;
	s15 =	smul.u32 $0x2800, s4;
	s29 =	sshrl.u32 s10, $0x1  }
0xb: {  	s9 =	sadd.s32 s9, s7;
	s10 =	ssub.s32 s10, s29;
	s30 =	sshrl.u32 s11, $0x2  }
0xc: {  	s11 =	sadd.s32 s6, s31;
	s6 =	sor.u32 $0x1C01, s12;
	s12 =	simm.s32 $0x50  }
0xd: {  	s13 =	sadd.s32 s30, s2;
	s7 =	sadd.s32 s8, s11;
	s14 =	sadd.s32 $0x6400, s9  }
0xe: {  	s8 =	smax.u32 s10, $0x1;
	s10 =	simm.s32 $0x1;
	s11 =	simm.s32 $0x4000  }
0xf: {  	s9 =	sshrl.u32 s13, $0x3;
	s13 =	sadd.s32 s15, s14;
	s14 =	simm.s32 $0x0  }
.LBB2_1:
0x10: {  	[spmem:s9], [sflag:s6] =	dma.local [hbm:s5], $0x2800  }
0x11: {  	_ =	swait.ge [sflag:s10], $0x2800  }
0x12: {  	[sflag:s10] =	ssyncset.done $0x0  }
0x13: {  	[sflag:s10] =	ssyncadd.s32 $0xFFFFD800  }
0x14: {  	[tilespmem:s3], [sflag:$0x1] =	stream.linear.gather [hbm4b:s7+s3], $0x3E80, $0x38;
	[tilespmem:$0x1A800] =	vst v63  }
0x15: {  	_ =	swait.ge [sflag:s10], $0x3E80  }
0x16: {  	[sflag:s10] =	ssyncset.done $0x0  }
0x17: {  	[sflag:s10] =	ssyncadd.s32 $0xFFFFC180  }
0x18: {  	[tilespmem:s11], [sflag:$0x1] =	stream.linear.gather [hbm4b:s1+s3], $0x2800, $0x38;
	[tilespmem:$0x1A800] =	vst v63  }
0x19: {  	_ =	swait.ge [sflag:s10], $0x2800  }
0x1a: {  	[sflag:s10] =	ssyncset.done $0x0  }
0x1b: {  	[sflag:s10] =	ssyncadd.s32 $0xFFFFD800  }
0x1c: {  	s15 =	simm.s32 $0x0;
	[bflag:$0x0] =	sbarrier.arrive $0xFFFF  }
0x1d: {  	[spmem:s2] =	stream.indirect.scatter.add.f32 [tilespmem:s11], [sflag:$0x1], $0x80, s15, s12, $0xb8;
	[tilespmem:$0x1A800] =	vst v63  }
0x1e: {  	_ =	swait.ge [sflag:s10], $0x2800  }
0x1f: {  	s15 =	simm.s32 $0x200;
	[sflag:s10] =	ssyncset.done $0x0  }
.LBB2_2:
0x20: {  	s16 =	sshra.s32 s15, $0x2;
	[sflag:s10] =	ssyncadd.s32 $0xFFFFD800;
	p0 =	sne.s32 s15, $0xF800  }
0x21: {  	[spmem:s2] =	stream.indirect.scatter.add.f32 [tilespmem:s11], [sflag:$0x1], $0x80, s16, s12, $0xb8;
	[tilespmem:$0x1A800] =	vst v63  }
.Ltmp0:
0x22: {  	_ = 	snop;
	(pc) =	sbr.rel @p0 .LBB2_2-.Ltmp0, $4  }
0x23: {  	_ = 	snop  }
0x24: {  	s15 =	sadd.s32 $0x200, s15  }
0x25: {  	_ =	swait.ge [sflag:s10], $0x2800  }
0x26: {  	[sflag:s10] =	ssyncset.done $0x0  }
0x27: {  	s14 =	sadd.s32 $0x1, s14  }
0x28: {  	[sflag:s10] =	ssyncadd.s32 $0xFFFFD800;
	p0 =	sne.s32 s14, s8  }
.Ltmp1:
0x29: {  	[bflag:$0x0] =	sbarrier.arrive $0xFFFF;
	(pc) =	sbr.rel @p0 .LBB2_1-.Ltmp1, $4  }
0x2a: {  	[hbm:s13], [sflag:s6] =	dma.local [spmem:s9], $0x2800  }
0x2b: {  	_ =	swait.ge [sflag:s10], $0x2800  }
0x2c: {  	[sflag:s10] =	ssyncset.done $0x0  }
0x2d: {  	[sflag:s10] =	ssyncadd.s32 $0xFFFFD800  }
0x2e: {  	_ =	sfence.sel $0x180000  }
0x2f: {  	[bflag:$0x0] =	sbarrier.arrive $0xFFFF  }
0x30: {  	p0 =	sne.s32 s4, $0x0;
	_ =	strace $0x90000047  }
0x31: {  	s0 =	sadd.s32 @!p0 $0x100000, s0;
	[bflag:$0x2] =	sbarrier.arrive $0xFFFF  }
0x32: {  	[sflag:s0] =	ssyncadd.tile.s32 @!p0 $0x1;
	_ =	shalt  }
.Lfunc_end2:
_tile_overlayer_lowered:
.L_overlay_start_2:
0x33: {  	(tag) =	ssettag $0x2  }
0x34: {  	s0 =	rddreg [dreg:$0x0];
	s2 =	stileid.u32  }
0x35: {  	s1 =	rddreg [dreg:$0x1];
	p0 =	sne.s32 s2, $0x0  }
0x36: {  	s3 =	rddreg [dreg:$0x2];
	[bflag:$0x3] =	sbarrier.arrive $0xFFFF;
	s2 =	simm.s32 @!p0 $0x1C01  }
0x37: {  	[timem:s3], [sflag:s2] =	dma.local @!p0 [hbm:s0], s1  }
0x38: {  	s0 =	simm.s32 @!p0 $0x1  }
0x39: {  	_ =	swait.ge @!p0 [sflag:s0], s1  }
0x3a: {  	s1 =	ssub.s32 @!p0 $0x0, s1;
	[sflag:s0] =	ssyncset.done @!p0 $0x0  }
0x3b: {  	[sflag:s0] =	ssyncadd.s32 @!p0 s1  }
0x3c: {  	[bflag:$0x3] =	sbarrier.arrive $0xFFFF  }
0x3d: {  	_ =	shalt  }

// kernel: kernel.13.cloned.1.call-start
scs
__scs_entry_jumppad:
0x0: {  	(pc) =	sbr.rel $0x88, $3  }
0x1: {  	(tag) =	ssettag $0x0;
	lr =	simm.s32 $0x1  }
0x2: {  	[smem:$0x3F96] =	sst lr;
	_ =	strace $0xD0000000  }
0x3: {  	_ = 	snop  }
0x4: {  	_ = 	snop  }
0x5: {  	_ = 	snop  }
0x6: {  	_ = 	snop  }
0x7: {  	_ = 	snop  }
__scs_overlays_trampoline_lowered:
0x8: {  	[smem:$0x3FA5] =	sst s0  }
0x9: {  	[smem:$0x3FA6] =	sst s1  }
0xa: {  	[smem:$0x3FA7] =	sst s2  }
0xb: {  	[smem:$0x3FA8] =	sst s3  }
0xc: {  	[smem:$0x3FA9] =	sst s4  }
0xd: {  	[smem:$0x3FAA] =	sst s5  }
0xe: {  	[smem:$0x3FAB] =	sst s6  }
0xf: {  	[smem:$0x3FAC] =	sst s7  }
0x10: {  	[smem:$0x3FAD] =	sst s8  }
0x11: {  	[smem:$0x3FAE] =	sst s9;
	s0 =	simm.s32 @!p0 $0x0  }
0x12: {  	s1 =	sld [smem:$0x3F94];
	s0 =	simm.s32 @p0 $0x1  }
0x13: {  	[smem:$0x3FAF] =	sst s0;
	s0 =	simm.s32 @!p1 $0x0  }
0x14: {  	s2 =	sld [smem:$0x3F93];
	s0 =	simm.s32 @p1 $0x1  }
0x15: {  	[smem:$0x3FB0] =	sst s0;
	s0 =	simm.s32 @!p2 $0x0  }
0x16: {  	s3 =	sld [smem:$0x3FDB];
	s0 =	simm.s32 @p2 $0x1  }
0x17: {  	s4 =	simm.s32 $0x1BF5;
	[smem:$0x3FB2] =	sst s0  }
0x18: {  	s0 =	sld [smem:$0x3F95];
	_ =	swait.ge [sflag:s4], $0x0  }
0x19: {  	s7 =	sld [smem:$0x3F96]  }
0x1a: {  	s8 =	sadd.s32 $0xFFFFE003, lr  }
0x1b: {  	s9 =	sadd.s32 $0xFFFFFEF7, lr;
	s5 =	simm.s32 $0xFFFFFFFF;
	p2 =	slt.u32 s8, $0xFFFFF086  }
0x1c: {  	p1 =	slt.u32 s9, $0xF7A;
	s5 =	simm.s32 @!p2 $0x0  }
0x1d: {  	s5 =	simm.s32 @p1 $0x1;
	p0 =	seq.s32 s7, s2  }
0x1e: {  	s7 =	smul.u32 @!p0 $0xF7A, s2;
	p2 =	seq.s32 @!p0 s5, $0x0  }
0x1f: {  	s9 =	smul.u32 $0xF7A, s1;
	s8 =	simm.s32 @!p0 $0x1BF5;
	p2 =	por !p2, p0  }
0x20: {  	[sflag:s8] =	ssyncset.s32 @!p0 $0xFFFFF086;
	s6 =	sadd.s32 @!p0 s3, s7;
	s7 =	simm.s32 @!p0 $0x108  }
0x21: {  	s3 =	sadd.s32 s3, s9;
	s6 =	sadd.s32 @!p0 $0x88, s6;
	s7 =	simm.s32 @p2 $0x1082  }
0x22: {  	[simem:s7], [sflag:s8] =	dma.local @!p0 [hbm:s6], $0xF7A  }
0x23: {  	s9 =	sor.u32 $0xD0000000, s2;
	s6 =	simm.s32 $0x108;
	_ =	swait.ge @!p0 [sflag:s8], $0x0  }
0x24: {  	s3 =	sadd.s32 $0x88, s3;
	s6 =	simm.s32 @!p1 $0x1082;
	[sflag:s4] =	ssyncset.s32 $0xFFFFF086  }
0x25: {  	[simem:s6], [sflag:s4] =	dma.local [hbm:s3], $0xF7A  }
0x26: {  	[smem:$0x3F96] =	sst s1;
	(tag) =	ssettag s2;
	_ =	strace s9  }
0x27: {  	s1 =	sld [smem:$0x3FA6]  }
0x28: {  	s2 =	sld [smem:$0x3FA7]  }
0x29: {  	s4 =	sld [smem:$0x3FA9]  }
0x2a: {  	p0 =	seq.s32 s5, $0x0;
	s5 =	sld [smem:$0x3FAA]  }
0x2b: {  	s6 =	sld [smem:$0x3FAB]  }
0x2c: {  	s7 =	sld [smem:$0x3FAC]  }
0x2d: {  	s3 =	simm.s32 $0x108;
	s8 =	sld [smem:$0x3FAD]  }
0x2e: {  	s3 =	simm.s32 @!p0 $0x1082;
	s9 =	sld [smem:$0x3FAE]  }
0x2f: {  	lr =	sadd.s32 s0, s3;
	s0 =	sld [smem:$0x3FA5]  }
0x30: {  	s3 =	sld [smem:$0x3FA8]  }
0x31: {  	[smem:$0x3FB1] =	sst s10  }
0x32: {  	s10 =	sld [smem:$0x3FAF];
	_ =	sdelay $0x3  }
0x33: {  	p0 =	seq.s32 s10, $0x1;
	s10 =	sld [smem:$0x3FB1];
	_ =	sdelay $0x3  }
0x34: {  	[smem:$0x3FB1] =	sst s10  }
0x35: {  	s10 =	sld [smem:$0x3FB0];
	_ =	sdelay $0x3  }
0x36: {  	p1 =	seq.s32 s10, $0x1;
	s10 =	sld [smem:$0x3FB1];
	_ =	sdelay $0x3  }
0x37: {  	[smem:$0x3FB1] =	sst s10  }
0x38: {  	s10 =	sld [smem:$0x3FB2]  }
0x39: {  	_ = 	snop;
	(pc) =	sbr.ind lr, $3  }
0x3a: {  	_ = 	snop  }
0x3b: {  	_ = 	snop  }
0x3c: {  	p2 =	seq.s32 s10, $0x1;
	s10 =	sld [smem:$0x3FB1]  }
0x3d: {  	_ =	shalt  }
0x3e: {  	_ =	shalt  }
0x3f: {  	_ =	shalt  }
0x40: {  	_ =	shalt  }
0x41: {  	_ =	shalt  }
0x42: {  	_ =	shalt  }
0x43: {  	_ =	shalt  }
0x44: {  	_ =	shalt  }
0x45: {  	_ =	shalt  }
0x46: {  	_ =	shalt  }
0x47: {  	_ =	shalt  }
0x48: {  	_ =	shalt  }
0x49: {  	_ =	shalt  }
0x4a: {  	_ =	shalt  }
0x4b: {  	_ =	shalt  }
0x4c: {  	_ =	shalt  }
0x4d: {  	_ =	shalt  }
0x4e: {  	_ =	shalt  }
0x4f: {  	_ =	shalt  }
0x50: {  	_ =	shalt  }
0x51: {  	_ =	shalt  }
0x52: {  	_ =	shalt  }
0x53: {  	_ =	shalt  }
0x54: {  	_ =	shalt  }
0x55: {  	_ =	shalt  }
0x56: {  	_ =	shalt  }
0x57: {  	_ =	shalt  }
0x58: {  	_ =	shalt  }
0x59: {  	_ =	shalt  }
0x5a: {  	_ =	shalt  }
0x5b: {  	_ =	shalt  }
0x5c: {  	_ =	shalt  }
0x5d: {  	_ =	shalt  }
0x5e: {  	_ =	shalt  }
0x5f: {  	_ =	shalt  }
0x60: {  	_ =	shalt  }
0x61: {  	_ =	shalt  }
0x62: {  	_ =	shalt  }
0x63: {  	_ =	shalt  }
0x64: {  	_ =	shalt  }
0x65: {  	_ =	shalt  }
0x66: {  	_ =	shalt  }
0x67: {  	_ =	shalt  }
0x68: {  	_ =	shalt  }
0x69: {  	_ =	shalt  }
0x6a: {  	_ =	shalt  }
0x6b: {  	_ =	shalt  }
0x6c: {  	_ =	shalt  }
0x6d: {  	_ =	shalt  }
0x6e: {  	_ =	shalt  }
0x6f: {  	_ =	shalt  }
0x70: {  	_ =	shalt  }
0x71: {  	_ =	shalt  }
0x72: {  	_ =	shalt  }
0x73: {  	_ =	shalt  }
0x74: {  	_ =	shalt  }
0x75: {  	_ =	shalt  }
0x76: {  	_ =	shalt  }
0x77: {  	_ =	shalt  }
0x78: {  	_ =	shalt  }
0x79: {  	_ =	shalt  }
0x7a: {  	_ =	shalt  }
0x7b: {  	_ =	shalt  }
0x7c: {  	_ =	shalt  }
0x7d: {  	_ =	shalt  }
0x7e: {  	_ =	shalt  }
0x7f: {  	_ =	shalt  }
0x80: {  	_ =	shalt  }
0x81: {  	_ =	shalt  }
0x82: {  	_ =	shalt  }
0x83: {  	_ =	shalt  }
0x84: {  	_ =	shalt  }
0x85: {  	_ =	shalt  }
0x86: {  	_ =	shalt  }
0x87: {  	_ =	shalt  }
.Lfunc_end0:
.L_simem_size_0:
called_computation.1_lowered:
.L_overlay_start_0:
0x88: {  	s2 =	sld [smem:$0x3FD9]  }
0x89: {  	s3 =	sld [smem:$0x3FFE];
	_ =	sdelay $0x1  }
0x8a: {  	s1 =	srdreg.scid  }
0x8b: {  	s0 =	sand.u32 $0x1, s1  }
0x8c: {  	s14 =	sshll.u32 s0, $0xA;
	s2 =	sadd.s32 s3, s2  }
0x8d: {  	s2 =	sadd.s32 s2, s14  }
0x8e: {  	[smem:$0x3FBD] =	sst s2  }
0x8f: {  	_ = 	snop  }
0x90: {  	s2 =	sld [smem:$0x3FD0];
	_ =	sdelay $0x2  }
0x91: {  	s15 =	simm.s32 $0xA;
	s4 =	simm.s32 $0x10  }
0x92: {  	[smem:s4], [sflag:s15] =	dma.local [hbm:s2], $0x1  }
0x93: {  	_ =	swait.eq [sflag:s15], $0x1  }
0x94: {  	[sflag:s15] =	ssyncset.done $0x0  }
0x95: {  	[sflag:s15] =	ssyncadd.s32 $0xFFFFFFFF  }
0x96: {  	s16 =	sld [smem:$0x12];
	(tm) =	ssettm $0x1  }
0x97: {  	s17 =	sld [smem:$0x3FFB];
	_ =	sdelay $0x3  }
0x98: {  	_ =	strace s17  }
0x99: {  	s3 =	sld [smem:$0x3FFC];
	_ =	sdelay $0x3  }
0x9a: {  	_ =	strace s3  }
0x9b: {  	s3 =	sld [smem:$0x3FFD];
	_ =	sdelay $0x3  }
0x9c: {  	_ =	strace s3  }
0x9d: {  	_ =	strace $0x8FFFFFFF  }
0x9e: {  	s18 =	sld [smem:$0x3FDB];
	_ =	sdelay $0x1  }
0x9f: {  	s19 =	simm.s32 $_scs_section_size  }
0xa0: {  	s5 =	simm.s32 $_size__tile_overlayer_lowered;
	s6 =	simm.s32 $_tile_overlayer_lowered  }
0xa1: {  	s22 =	simm.s32 $0x1BFF;
	s21 =	sshll.u32 s6, $0x1;
	s3 =	sadd.s32 s19, s18  }
0xa2: {  	s7 =	simm.s32 $0x0;
	s20 =	sshll.u32 s5, $0x1;
	s5 =	sadd.s32 s21, s3  }
0xa3: {  	[timem:s7], [sflag:s22] =	dma.local [hbm:s5], s20  }
0xa4: {  	_ =	swait.ge [sflag:s22], s20  }
0xa5: {  	s4 =	ssub.s32 $0x0, s20;
	[sflag:s22] =	ssyncset.done $0x0  }
0xa6: {  	[sflag:s22] =	ssyncadd.s32 s4;
	_ =	sdelay $0x1  }
0xa7: {  	s23 =	simm.s32 $0x1B8B  }
0xa8: {  	_ =	swait.ge [sflag:s23], $0x1  }
0xa9: {  	[sflag:s23] =	ssyncset.done $0x0  }
0xaa: {  	s25 =	simm.s32 $0x1B8E;
	s24 =	sld [smem:$0x3FFE];
	[sflag:s23] =	ssyncadd.s32 $0xFFFFFFFF  }
0xab: {  	s26 =	simm.s32 $execute0_lowered;
	[smem:$0x3FD2] =	sst s25  }
0xac: {  	s5 =	sshll.u32 s26, $0x1;
	_ =	strace $0x80000049;
	[dreg:$0x1] =	wrdreg $0xFFFFFFFF  }
0xad: {  	s28 =	simm.s32 $_size_execute0_lowered;
	s3 =	sadd.s32 s3, s5;
	[dreg:$0x0] =	wrdreg $0x0  }
0xae: {  	s5 =	sshll.u32 s28, $0x1;
	[dreg:$0x2] =	wrdreg s3  }
0xaf: {  	[dreg:$0x3] =	wrdreg s5  }
0xb0: {  	[dreg:$0x4] =	wrdreg $0xC0  }
0xb1: {  	_ =	task [dreg:s7], $0x5FFFF  }
0xb2: {  	[dreg:$0x1] =	wrdreg $0xFFFFFFFF  }
0xb3: {  	[dreg:$0x0] =	wrdreg $0x60  }
0xb4: {  	[dreg:$0x2] =	wrdreg s24  }
0xb5: {  	[dreg:$0x3] =	wrdreg s16  }
0xb6: {  	[dreg:$0x4] =	wrdreg $0xA8000  }
0xb7: {  	[dreg:$0x5] =	wrdreg $0x9  }
0xb8: {  	_ =	task.clear_ibuf [dreg:s7], $0x6FFFF;
	_ =	strace $0x90000049  }
0xb9: {  	s29 =	simm.s32 $0x9;
	_ =	strace $0x8000004B  }
0xba: {  	_ =	swait.ge [sflag:s29], $0x1  }
0xbb: {  	[sflag:s29] =	ssyncadd.s32 $0xFFFFFFFF  }
0xbc: {  	_ =	strace $0x9000004B  }
0xbd: {  	_ =	sfence  }
0xbe: {  	s30 =	sld [smem:$0x0];
	_ =	sdelay $0x2  }
0xbf: {  	s31 =	sshll.u32 s1, $0xD;
	s1 =	sshrl.u32 s1, $0x2  }
0xc0: {  	s3 =	sand.u32 $0x4000, s31;
	s1 =	sadd.s32 s1, s30  }
0xc1: {  	s0 =	sor.u32 s3, s0;
	s1 =	sshll.u32 s1, $0x11  }
0xc2: {  	s0 =	sor.u32 s1, s0  }
0xc3: {  	s0 =	sadd.s32 $0x8F2B, s0  }
0xc4: {  	[sflag:s0] =	ssyncadd.remote.s32 $0x1  }
0xc5: {  	_ =	sfence.sel $0xFFFF  }
0xc6: {  	[dreg:$0x0] =	wrdreg $0xFFFFFFFF;
	(pc) =	sbr.abs _section_cstart, $3  }
0xc7: {  	[dreg:$0x1] =	wrdreg $0xFFFFFFFF  }
0xc8: {  	_ =	task.clear_ibuf [dreg:s7], $0x2FFFF;
	_ =	strace $0x9FFFFFFF  }
0xc9: {  	(tm) =	ssettm $0x7FFFFFFF  }
tec
execute0_lowered:
.L_overlay_start_1:
0x0: {  	(tag) =	ssettag $0x1  }
0x1: {  	s6 =	rddreg [dreg:$0x0]  }
0x2: {  	s8 =	rddreg [dreg:$0x1]  }
0x3: {  	s1 =	rddreg [dreg:$0x2]  }
0x4: {  	s0 =	rddreg [dreg:$0x3];
	s3 =	simm.s32 $0x0;
	s4 =	srdreg.scid  }
0x5: {  	s2 =	stileid.u32;
	s14 =	simm.s32 $0x8000;
	s15 =	simm.s32 $0x1  }
0x6: {  	[smem:$0x7FF] =	sst s3;
	s5 =	sand.u32 $0x1, s4;
	s9 =	sshll.u32 s2, $0xB  }
0x7: {  	s4 =	sadd.s32 $0x6400, s6;
	s12 =	smul.u32 $0x50000, s2;
	s31 =	sshll.u32 s2, $0x6  }
0x8: {  	s17 =	smul.u32 $0x2800, s2;
	_ =	strace $0x8000004A;
	s7 =	sshll.u32 s5, $0xF  }
0x9: {  	s28 =	smul.u32 $0x28000, s5;
	s11 =	ssub.s32 $0x2, s5;
	s5 =	sadd.s32 $0x3C00, s6  }
0xa: {  	s9 =	sor.u32 s9, s7;
	s29 =	sshrl.u32 s11, $0x1;
	s30 =	sshrl.u32 s12, $0x2  }
0xb: {  	s10 =	sadd.s32 s9, s6;
	s13 =	sadd.s32 s28, s6;
	s11 =	ssub.s32 s11, s29  }
0xc: {  	s12 =	sadd.s32 s30, s1;
	s6 =	sor.u32 $0x1C02, s31;
	s8 =	sadd.s32 s8, s9  }
0xd: {  	s7 =	sadd.s32 $0x56400, s10;
	s16 =	sadd.s32 $0x66400, s13;
	s9 =	smax.u32 s11, $0x1  }
0xe: {  	s10 =	sshrl.u32 s12, $0x3;
	s11 =	simm.s32 $0x2;
	s12 =	simm.s32 $0x4000  }
0xf: {  	s13 =	simm.s32 $0x50;
	s16 =	sadd.s32 s17, s16;
	s17 =	simm.s32 $0x0  }
.LBB2_1:
0x10: {  	[spmem:s10], [sflag:s6] =	dma.local [hbm:s5], $0x2800  }
0x11: {  	_ =	swait.ge [sflag:s11], $0x2800  }
0x12: {  	[sflag:s11] =	ssyncset.done $0x0  }
0x13: {  	[sflag:s11] =	ssyncadd.s32 $0xFFFFD800  }
0x14: {  	[tilespmem:s3], [sflag:$0x2] =	stream.linear.gather [hbm4b:s7+s3], $0x3E80, $0x38;
	[tilespmem:$0x1E800] =	vst v63  }
0x15: {  	_ =	swait.ge [sflag:s11], $0x3E80  }
0x16: {  	[sflag:s11] =	ssyncset.done $0x0  }
0x17: {  	[sflag:s11] =	ssyncadd.s32 $0xFFFFC180  }
0x18: {  	[tilespmem:s12], [sflag:$0x2] =	stream.linear.gather [hbm4b:s8+s3], $0x3E80, $0x38;
	[tilespmem:$0x1E800] =	vst v63  }
0x19: {  	_ =	swait.ge [sflag:s11], $0x3E80  }
0x1a: {  	[sflag:s11] =	ssyncset.done $0x0  }
0x1b: {  	[sflag:s11] =	ssyncadd.s32 $0xFFFFC180  }
0x1c: {  	s18 =	simm.s32 $0x0;
	[bflag:$0x0] =	sbarrier.arrive $0xFFFF  }
0x1d: {  	[tilespmem:s14], [sflag:$0x1] =	stream.indirect.gather [hbm4b:s4+s13], $0x80, s18, s13, $0xb8;
	[tilespmem:$0x1E800] =	vst v63  }
0x1e: {  	_ =	swait.ge [sflag:s15], $0x2800  }
0x1f: {  	[sflag:s15] =	ssyncset.done $0x0  }
0x20: {  	s31 =	simm.s32 $0x4000;
	[sflag:s15] =	ssyncadd.s32 $0xFFFFD800  }
0x21: {  	[spmem:s1] =	stream.indirect.scatter.add.f32 [tilespmem:s14], [sflag:$0x2], $0x80, s31, s13, $0xb8;
	[tilespmem:$0x1E800] =	vst v63  }
0x22: {  	_ =	swait.ge [sflag:s11], $0x2800  }
0x23: {  	s19 =	simm.s32 $0x400;
	s18 =	simm.s32 $0x200;
	[sflag:s11] =	ssyncset.done $0x0  }
.LBB2_2:
0x24: {  	s20 =	sshra.s32 s18, $0x2  }
0x25: {  	[sflag:s11] =	ssyncadd.s32 $0xFFFFD800;
	s18 =	smov.u32 s19;
	s21 =	sadd.s32 $0x200, s19  }
0x26: {  	[tilespmem:s14], [sflag:$0x1] =	stream.indirect.gather [hbm4b:s4+s13], $0x80, s20, s13, $0xb8;
	[tilespmem:$0x1E800] =	vst v63  }
0x27: {  	p0 =	sne.s32 s19, $0xF800;
	_ =	swait.ge [sflag:s15], $0x2800  }
.Ltmp0:
0x28: {  	[sflag:s15] =	ssyncset.done $0x0;
	(pc) =	sbr.rel @p0 .LBB2_2-.Ltmp0, $4  }
0x29: {  	s19 =	sadd.s32 $0x4000, s20;
	[sflag:s15] =	ssyncadd.s32 $0xFFFFD800  }
0x2a: {  	[spmem:s1] =	stream.indirect.scatter.add.f32 [tilespmem:s14], [sflag:$0x2], $0x80, s19, s13, $0xb8;
	[tilespmem:$0x1E800] =	vst v63  }
0x2b: {  	_ =	swait.ge [sflag:s11], $0x2800  }
0x2c: {  	s19 =	smov.u32 s21;
	[sflag:s11] =	ssyncset.done $0x0  }
0x2d: {  	s18 =	sshra.s32 s18, $0x2;
	[sflag:s11] =	ssyncadd.s32 $0xFFFFD800  }
0x2e: {  	[tilespmem:s14], [sflag:$0x1] =	stream.indirect.gather [hbm4b:s4+s13], $0x80, s18, s13, $0xb8;
	[tilespmem:$0x1E800] =	vst v63  }
0x2f: {  	_ =	swait.ge [sflag:s15], $0x2800  }
0x30: {  	[sflag:s15] =	ssyncset.done $0x0  }
0x31: {  	s18 =	sadd.s32 $0x4000, s18;
	[sflag:s15] =	ssyncadd.s32 $0xFFFFD800  }
0x32: {  	[spmem:s1] =	stream.indirect.scatter.add.f32 [tilespmem:s14], [sflag:$0x2], $0x80, s18, s13, $0xb8;
	[tilespmem:$0x1E800] =	vst v63  }
0x33: {  	_ =	swait.ge [sflag:s11], $0x2800  }
0x34: {  	s17 =	sadd.s32 $0x1, s17;
	[sflag:s11] =	ssyncset.done $0x0  }
0x35: {  	p0 =	sne.s32 s17, s9;
	[sflag:s11] =	ssyncadd.s32 $0xFFFFD800  }
.Ltmp1:
0x36: {  	[bflag:$0x0] =	sbarrier.arrive $0xFFFF;
	(pc) =	sbr.rel @p0 .LBB2_1-.Ltmp1, $4  }
0x37: {  	[hbm:s16], [sflag:s6] =	dma.local [spmem:s10], $0x2800  }
0x38: {  	_ =	swait.ge [sflag:s11], $0x2800  }
0x39: {  	[sflag:s11] =	ssyncset.done $0x0  }
0x3a: {  	[sflag:s11] =	ssyncadd.s32 $0xFFFFD800  }
0x3b: {  	_ =	sfence.sel $0x180000  }
0x3c: {  	[bflag:$0x0] =	sbarrier.arrive $0xFFFF  }
0x3d: {  	p0 =	sne.s32 s2, $0x0;
	_ =	strace $0x9000004A  }
0x3e: {  	s0 =	sadd.s32 @!p0 $0x100000, s0;
	[bflag:$0x2] =	sbarrier.arrive $0xFFFF  }
0x3f: {  	[sflag:s0] =	ssyncadd.tile.s32 @!p0 $0x1;
	_ =	shalt  }
.Lfunc_end2:
_tile_overlayer_lowered:
.L_overlay_start_2:
0x40: {  	(tag) =	ssettag $0x2  }
0x41: {  	s0 =	rddreg [dreg:$0x0];
	s2 =	stileid.u32  }
0x42: {  	s1 =	rddreg [dreg:$0x1];
	p0 =	sne.s32 s2, $0x0  }
0x43: {  	s3 =	rddreg [dreg:$0x2];
	[bflag:$0x3] =	sbarrier.arrive $0xFFFF;
	s2 =	simm.s32 @!p0 $0x1C02  }
0x44: {  	[timem:s3], [sflag:s2] =	dma.local @!p0 [hbm:s0], s1  }
0x45: {  	s0 =	simm.s32 @!p0 $0x2  }
0x46: {  	_ =	swait.ge @!p0 [sflag:s0], s1  }
0x47: {  	s1 =	ssub.s32 @!p0 $0x0, s1;
	[sflag:s0] =	ssyncset.done @!p0 $0x0  }
0x48: {  	[sflag:s0] =	ssyncadd.s32 @!p0 s1  }
0x49: {  	[bflag:$0x3] =	sbarrier.arrive $0xFFFF  }
0x4a: {  	_ =	shalt  }

// kernel: kernel.16.cloned.1.call-start
scs
__scs_entry_jumppad:
0x0: {  	(pc) =	sbr.rel $0x88, $3  }
0x1: {  	(tag) =	ssettag $0x0;
	lr =	simm.s32 $0x1  }
0x2: {  	[smem:$0x3F96] =	sst lr;
	_ =	strace $0xD0000000  }
0x3: {  	_ = 	snop  }
0x4: {  	_ = 	snop  }
0x5: {  	_ = 	snop  }
0x6: {  	_ = 	snop  }
0x7: {  	_ = 	snop  }
__scs_overlays_trampoline_lowered:
0x8: {  	[smem:$0x3FA5] =	sst s0  }
0x9: {  	[smem:$0x3FA6] =	sst s1  }
0xa: {  	[smem:$0x3FA7] =	sst s2  }
0xb: {  	[smem:$0x3FA8] =	sst s3  }
0xc: {  	[smem:$0x3FA9] =	sst s4  }
0xd: {  	[smem:$0x3FAA] =	sst s5  }
0xe: {  	[smem:$0x3FAB] =	sst s6  }
0xf: {  	[smem:$0x3FAC] =	sst s7  }
0x10: {  	[smem:$0x3FAD] =	sst s8  }
0x11: {  	[smem:$0x3FAE] =	sst s9;
	s0 =	simm.s32 @!p0 $0x0  }
0x12: {  	s1 =	sld [smem:$0x3F94];
	s0 =	simm.s32 @p0 $0x1  }
0x13: {  	[smem:$0x3FAF] =	sst s0;
	s0 =	simm.s32 @!p1 $0x0  }
0x14: {  	s2 =	sld [smem:$0x3F93];
	s0 =	simm.s32 @p1 $0x1  }
0x15: {  	[smem:$0x3FB0] =	sst s0;
	s0 =	simm.s32 @!p2 $0x0  }
0x16: {  	s3 =	sld [smem:$0x3FDB];
	s0 =	simm.s32 @p2 $0x1  }
0x17: {  	s4 =	simm.s32 $0x1BF5;
	[smem:$0x3FB2] =	sst s0  }
0x18: {  	s0 =	sld [smem:$0x3F95];
	_ =	swait.ge [sflag:s4], $0x0  }
0x19: {  	s7 =	sld [smem:$0x3F96]  }
0x1a: {  	s8 =	sadd.s32 $0xFFFFE003, lr  }
0x1b: {  	s9 =	sadd.s32 $0xFFFFFEF7, lr;
	s5 =	simm.s32 $0xFFFFFFFF;
	p2 =	slt.u32 s8, $0xFFFFF086  }
0x1c: {  	p1 =	slt.u32 s9, $0xF7A;
	s5 =	simm.s32 @!p2 $0x0  }
0x1d: {  	s5 =	simm.s32 @p1 $0x1;
	p0 =	seq.s32 s7, s2  }
0x1e: {  	s7 =	smul.u32 @!p0 $0xF7A, s2;
	p2 =	seq.s32 @!p0 s5, $0x0  }
0x1f: {  	s9 =	smul.u32 $0xF7A, s1;
	s8 =	simm.s32 @!p0 $0x1BF5;
	p2 =	por !p2, p0  }
0x20: {  	[sflag:s8] =	ssyncset.s32 @!p0 $0xFFFFF086;
	s6 =	sadd.s32 @!p0 s3, s7;
	s7 =	simm.s32 @!p0 $0x108  }
0x21: {  	s3 =	sadd.s32 s3, s9;
	s6 =	sadd.s32 @!p0 $0x88, s6;
	s7 =	simm.s32 @p2 $0x1082  }
0x22: {  	[simem:s7], [sflag:s8] =	dma.local @!p0 [hbm:s6], $0xF7A  }
0x23: {  	s9 =	sor.u32 $0xD0000000, s2;
	s6 =	simm.s32 $0x108;
	_ =	swait.ge @!p0 [sflag:s8], $0x0  }
0x24: {  	s3 =	sadd.s32 $0x88, s3;
	s6 =	simm.s32 @!p1 $0x1082;
	[sflag:s4] =	ssyncset.s32 $0xFFFFF086  }
0x25: {  	[simem:s6], [sflag:s4] =	dma.local [hbm:s3], $0xF7A  }
0x26: {  	[smem:$0x3F96] =	sst s1;
	(tag) =	ssettag s2;
	_ =	strace s9  }
0x27: {  	s1 =	sld [smem:$0x3FA6]  }
0x28: {  	s2 =	sld [smem:$0x3FA7]  }
0x29: {  	s4 =	sld [smem:$0x3FA9]  }
0x2a: {  	p0 =	seq.s32 s5, $0x0;
	s5 =	sld [smem:$0x3FAA]  }
0x2b: {  	s6 =	sld [smem:$0x3FAB]  }
0x2c: {  	s7 =	sld [smem:$0x3FAC]  }
0x2d: {  	s3 =	simm.s32 $0x108;
	s8 =	sld [smem:$0x3FAD]  }
0x2e: {  	s3 =	simm.s32 @!p0 $0x1082;
	s9 =	sld [smem:$0x3FAE]  }
0x2f: {  	lr =	sadd.s32 s0, s3;
	s0 =	sld [smem:$0x3FA5]  }
0x30: {  	s3 =	sld [smem:$0x3FA8]  }
0x31: {  	[smem:$0x3FB1] =	sst s10  }
0x32: {  	s10 =	sld [smem:$0x3FAF];
	_ =	sdelay $0x3  }
0x33: {  	p0 =	seq.s32 s10, $0x1;
	s10 =	sld [smem:$0x3FB1];
	_ =	sdelay $0x3  }
0x34: {  	[smem:$0x3FB1] =	sst s10  }
0x35: {  	s10 =	sld [smem:$0x3FB0];
	_ =	sdelay $0x3  }
0x36: {  	p1 =	seq.s32 s10, $0x1;
	s10 =	sld [smem:$0x3FB1];
	_ =	sdelay $0x3  }
0x37: {  	[smem:$0x3FB1] =	sst s10  }
0x38: {  	s10 =	sld [smem:$0x3FB2]  }
0x39: {  	_ = 	snop;
	(pc) =	sbr.ind lr, $3  }
0x3a: {  	_ = 	snop  }
0x3b: {  	_ = 	snop  }
0x3c: {  	p2 =	seq.s32 s10, $0x1;
	s10 =	sld [smem:$0x3FB1]  }
0x3d: {  	_ =	shalt  }
0x3e: {  	_ =	shalt  }
0x3f: {  	_ =	shalt  }
0x40: {  	_ =	shalt  }
0x41: {  	_ =	shalt  }
0x42: {  	_ =	shalt  }
0x43: {  	_ =	shalt  }
0x44: {  	_ =	shalt  }
0x45: {  	_ =	shalt  }
0x46: {  	_ =	shalt  }
0x47: {  	_ =	shalt  }
0x48: {  	_ =	shalt  }
0x49: {  	_ =	shalt  }
0x4a: {  	_ =	shalt  }
0x4b: {  	_ =	shalt  }
0x4c: {  	_ =	shalt  }
0x4d: {  	_ =	shalt  }
0x4e: {  	_ =	shalt  }
0x4f: {  	_ =	shalt  }
0x50: {  	_ =	shalt  }
0x51: {  	_ =	shalt  }
0x52: {  	_ =	shalt  }
0x53: {  	_ =	shalt  }
0x54: {  	_ =	shalt  }
0x55: {  	_ =	shalt  }
0x56: {  	_ =	shalt  }
0x57: {  	_ =	shalt  }
0x58: {  	_ =	shalt  }
0x59: {  	_ =	shalt  }
0x5a: {  	_ =	shalt  }
0x5b: {  	_ =	shalt  }
0x5c: {  	_ =	shalt  }
0x5d: {  	_ =	shalt  }
0x5e: {  	_ =	shalt  }
0x5f: {  	_ =	shalt  }
0x60: {  	_ =	shalt  }
0x61: {  	_ =	shalt  }
0x62: {  	_ =	shalt  }
0x63: {  	_ =	shalt  }
0x64: {  	_ =	shalt  }
0x65: {  	_ =	shalt  }
0x66: {  	_ =	shalt  }
0x67: {  	_ =	shalt  }
0x68: {  	_ =	shalt  }
0x69: {  	_ =	shalt  }
0x6a: {  	_ =	shalt  }
0x6b: {  	_ =	shalt  }
0x6c: {  	_ =	shalt  }
0x6d: {  	_ =	shalt  }
0x6e: {  	_ =	shalt  }
0x6f: {  	_ =	shalt  }
0x70: {  	_ =	shalt  }
0x71: {  	_ =	shalt  }
0x72: {  	_ =	shalt  }
0x73: {  	_ =	shalt  }
0x74: {  	_ =	shalt  }
0x75: {  	_ =	shalt  }
0x76: {  	_ =	shalt  }
0x77: {  	_ =	shalt  }
0x78: {  	_ =	shalt  }
0x79: {  	_ =	shalt  }
0x7a: {  	_ =	shalt  }
0x7b: {  	_ =	shalt  }
0x7c: {  	_ =	shalt  }
0x7d: {  	_ =	shalt  }
0x7e: {  	_ =	shalt  }
0x7f: {  	_ =	shalt  }
0x80: {  	_ =	shalt  }
0x81: {  	_ =	shalt  }
0x82: {  	_ =	shalt  }
0x83: {  	_ =	shalt  }
0x84: {  	_ =	shalt  }
0x85: {  	_ =	shalt  }
0x86: {  	_ =	shalt  }
0x87: {  	_ =	shalt  }
.Lfunc_end0:
.L_simem_size_0:
called_computation.2_lowered:
.L_overlay_start_0:
0x88: {  	s2 =	sld [smem:$0x3FD9]  }
0x89: {  	s3 =	sld [smem:$0x3FFE];
	_ =	sdelay $0x1  }
0x8a: {  	s1 =	srdreg.scid  }
0x8b: {  	s0 =	sand.u32 $0x1, s1  }
0x8c: {  	s14 =	sshll.u32 s0, $0xA;
	s2 =	sadd.s32 s3, s2  }
0x8d: {  	s2 =	sadd.s32 s2, s14  }
0x8e: {  	[smem:$0x3FBD] =	sst s2  }
0x8f: {  	_ = 	snop  }
0x90: {  	s2 =	sld [smem:$0x3FD0];
	_ =	sdelay $0x2  }
0x91: {  	s15 =	simm.s32 $0xA;
	s4 =	simm.s32 $0x10  }
0x92: {  	[smem:s4], [sflag:s15] =	dma.local [hbm:s2], $0x1  }
0x93: {  	_ =	swait.eq [sflag:s15], $0x1  }
0x94: {  	[sflag:s15] =	ssyncset.done $0x0  }
0x95: {  	[sflag:s15] =	ssyncadd.s32 $0xFFFFFFFF  }
0x96: {  	s16 =	sld [smem:$0x12];
	(tm) =	ssettm $0x1  }
0x97: {  	s17 =	sld [smem:$0x3FFB];
	_ =	sdelay $0x3  }
0x98: {  	_ =	strace s17  }
0x99: {  	s3 =	sld [smem:$0x3FFC];
	_ =	sdelay $0x3  }
0x9a: {  	_ =	strace s3  }
0x9b: {  	s3 =	sld [smem:$0x3FFD];
	_ =	sdelay $0x3  }
0x9c: {  	_ =	strace s3  }
0x9d: {  	_ =	strace $0x8FFFFFFF  }
0x9e: {  	s18 =	sld [smem:$0x3FDB];
	_ =	sdelay $0x1  }
0x9f: {  	s19 =	simm.s32 $_scs_section_size  }
0xa0: {  	s5 =	simm.s32 $_size__tile_overlayer_lowered;
	s6 =	simm.s32 $_tile_overlayer_lowered  }
0xa1: {  	s22 =	simm.s32 $0x1BFF;
	s21 =	sshll.u32 s6, $0x1;
	s3 =	sadd.s32 s19, s18  }
0xa2: {  	s7 =	simm.s32 $0x0;
	s20 =	sshll.u32 s5, $0x1;
	s5 =	sadd.s32 s21, s3  }
0xa3: {  	[timem:s7], [sflag:s22] =	dma.local [hbm:s5], s20  }
0xa4: {  	_ =	swait.ge [sflag:s22], s20  }
0xa5: {  	s4 =	ssub.s32 $0x0, s20;
	[sflag:s22] =	ssyncset.done $0x0  }
0xa6: {  	[sflag:s22] =	ssyncadd.s32 s4;
	_ =	sdelay $0x1  }
0xa7: {  	s23 =	simm.s32 $0x1B8B  }
0xa8: {  	_ =	swait.ge [sflag:s23], $0x1  }
0xa9: {  	[sflag:s23] =	ssyncset.done $0x0  }
0xaa: {  	s25 =	simm.s32 $0x1B8E;
	s24 =	sld [smem:$0x3FFE];
	[sflag:s23] =	ssyncadd.s32 $0xFFFFFFFF  }
0xab: {  	s26 =	simm.s32 $execute0_lowered;
	[smem:$0x3FD2] =	sst s25  }
0xac: {  	s5 =	sshll.u32 s26, $0x1;
	_ =	strace $0x8000004C;
	[dreg:$0x1] =	wrdreg $0xFFFFFFFF  }
0xad: {  	s28 =	simm.s32 $_size_execute0_lowered;
	s3 =	sadd.s32 s3, s5;
	[dreg:$0x0] =	wrdreg $0x0  }
0xae: {  	s5 =	sshll.u32 s28, $0x1;
	[dreg:$0x2] =	wrdreg s3  }
0xaf: {  	[dreg:$0x3] =	wrdreg s5  }
0xb0: {  	[dreg:$0x4] =	wrdreg $0xC0  }
0xb1: {  	_ =	task [dreg:s7], $0x5FFFF  }
0xb2: {  	[dreg:$0x1] =	wrdreg $0xFFFFFFFF  }
0xb3: {  	[dreg:$0x0] =	wrdreg $0x60  }
0xb4: {  	[dreg:$0x2] =	wrdreg s24  }
0xb5: {  	[dreg:$0x3] =	wrdreg s16  }
0xb6: {  	[dreg:$0x4] =	wrdreg $0xA8000  }
0xb7: {  	[dreg:$0x5] =	wrdreg $0x9  }
0xb8: {  	_ =	task.clear_ibuf [dreg:s7], $0x6FFFF;
	_ =	strace $0x9000004C  }
0xb9: {  	s29 =	simm.s32 $0x9;
	_ =	strace $0x8000004E  }
0xba: {  	_ =	swait.ge [sflag:s29], $0x1  }
0xbb: {  	[sflag:s29] =	ssyncadd.s32 $0xFFFFFFFF  }
0xbc: {  	_ =	strace $0x9000004E  }
0xbd: {  	_ =	sfence  }
0xbe: {  	s30 =	sld [smem:$0x0];
	_ =	sdelay $0x2  }
0xbf: {  	s31 =	sshll.u32 s1, $0xD;
	s1 =	sshrl.u32 s1, $0x2  }
0xc0: {  	s3 =	sand.u32 $0x4000, s31;
	s1 =	sadd.s32 s1, s30  }
0xc1: {  	s0 =	sor.u32 s3, s0;
	s1 =	sshll.u32 s1, $0x11  }
0xc2: {  	s0 =	sor.u32 s1, s0  }
0xc3: {  	s0 =	sadd.s32 $0x8F2B, s0  }
0xc4: {  	[sflag:s0] =	ssyncadd.remote.s32 $0x1  }
0xc5: {  	_ =	sfence.sel $0xFFFF  }
0xc6: {  	[dreg:$0x0] =	wrdreg $0xFFFFFFFF;
	(pc) =	sbr.abs _section_cstart, $3  }
0xc7: {  	[dreg:$0x1] =	wrdreg $0xFFFFFFFF  }
0xc8: {  	_ =	task.clear_ibuf [dreg:s7], $0x2FFFF;
	_ =	strace $0x9FFFFFFF  }
0xc9: {  	(tm) =	ssettm $0x7FFFFFFF  }
tec
execute0_lowered:
.L_overlay_start_1:
0x0: {  	(tag) =	ssettag $0x1  }
0x1: {  	s6 =	rddreg [dreg:$0x0]  }
0x2: {  	s8 =	rddreg [dreg:$0x1]  }
0x3: {  	s1 =	rddreg [dreg:$0x2]  }
0x4: {  	s0 =	rddreg [dreg:$0x3];
	s3 =	simm.s32 $0x0;
	s4 =	srdreg.scid  }
0x5: {  	s2 =	stileid.u32;
	s14 =	simm.s32 $0x8000;
	s15 =	simm.s32 $0x1  }
0x6: {  	[smem:$0x7FF] =	sst s3;
	s5 =	sand.u32 $0x1, s4;
	s9 =	sshll.u32 s2, $0xB  }
0x7: {  	s4 =	sadd.s32 $0x6400, s6;
	s12 =	smul.u32 $0x50000, s2;
	s31 =	sshll.u32 s2, $0x6  }
0x8: {  	s17 =	smul.u32 $0x2800, s2;
	_ =	strace $0x8000004D;
	s7 =	sshll.u32 s5, $0xF  }
0x9: {  	s28 =	smul.u32 $0x28000, s5;
	s11 =	ssub.s32 $0x2, s5;
	s5 =	sadd.s32 $0x3C00, s6  }
0xa: {  	s9 =	sor.u32 s9, s7;
	s29 =	sshrl.u32 s11, $0x1;
	s30 =	sshrl.u32 s12, $0x2  }
0xb: {  	s10 =	sadd.s32 s9, s6;
	s13 =	sadd.s32 s28, s6;
	s11 =	ssub.s32 s11, s29  }
0xc: {  	s12 =	sadd.s32 s30, s1;
	s6 =	sor.u32 $0x1C02, s31;
	s8 =	sadd.s32 s8, s9  }
0xd: {  	s7 =	sadd.s32 $0x56400, s10;
	s16 =	sadd.s32 $0x66400, s13;
	s9 =	smax.u32 s11, $0x1  }
0xe: {  	s10 =	sshrl.u32 s12, $0x3;
	s11 =	simm.s32 $0x2;
	s12 =	simm.s32 $0x4000  }
0xf: {  	s13 =	simm.s32 $0x50;
	s16 =	sadd.s32 s17, s16;
	s17 =	simm.s32 $0x0  }
.LBB2_1:
0x10: {  	[spmem:s10], [sflag:s6] =	dma.local [hbm:s5], $0x2800  }
0x11: {  	_ =	swait.ge [sflag:s11], $0x2800  }
0x12: {  	[sflag:s11] =	ssyncset.done $0x0  }
0x13: {  	[sflag:s11] =	ssyncadd.s32 $0xFFFFD800  }
0x14: {  	[tilespmem:s3], [sflag:$0x2] =	stream.linear.gather [hbm4b:s7+s3], $0x3E80, $0x38;
	[tilespmem:$0x1E800] =	vst v63  }
0x15: {  	_ =	swait.ge [sflag:s11], $0x3E80  }
0x16: {  	[sflag:s11] =	ssyncset.done $0x0  }
0x17: {  	[sflag:s11] =	ssyncadd.s32 $0xFFFFC180  }
0x18: {  	[tilespmem:s12], [sflag:$0x2] =	stream.linear.gather [hbm4b:s8+s3], $0x3E80, $0x38;
	[tilespmem:$0x1E800] =	vst v63  }
0x19: {  	_ =	swait.ge [sflag:s11], $0x3E80  }
0x1a: {  	[sflag:s11] =	ssyncset.done $0x0  }
0x1b: {  	[sflag:s11] =	ssyncadd.s32 $0xFFFFC180  }
0x1c: {  	s18 =	simm.s32 $0x0;
	[bflag:$0x0] =	sbarrier.arrive $0xFFFF  }
0x1d: {  	[tilespmem:s14], [sflag:$0x1] =	stream.indirect.gather [hbm4b:s4+s13], $0x80, s18, s13, $0xb8;
	[tilespmem:$0x1E800] =	vst v63  }
0x1e: {  	_ =	swait.ge [sflag:s15], $0x2800  }
0x1f: {  	[sflag:s15] =	ssyncset.done $0x0  }
0x20: {  	s31 =	simm.s32 $0x4000;
	[sflag:s15] =	ssyncadd.s32 $0xFFFFD800  }
0x21: {  	[spmem:s1] =	stream.indirect.scatter.add.f32 [tilespmem:s14], [sflag:$0x2], $0x80, s31, s13, $0xb8;
	[tilespmem:$0x1E800] =	vst v63  }
0x22: {  	_ =	swait.ge [sflag:s11], $0x2800  }
0x23: {  	s19 =	simm.s32 $0x400;
	s18 =	simm.s32 $0x200;
	[sflag:s11] =	ssyncset.done $0x0  }
.LBB2_2:
0x24: {  	s20 =	sshra.s32 s18, $0x2  }
0x25: {  	[sflag:s11] =	ssyncadd.s32 $0xFFFFD800;
	s18 =	smov.u32 s19;
	s21 =	sadd.s32 $0x200, s19  }
0x26: {  	[tilespmem:s14], [sflag:$0x1] =	stream.indirect.gather [hbm4b:s4+s13], $0x80, s20, s13, $0xb8;
	[tilespmem:$0x1E800] =	vst v63  }
0x27: {  	p0 =	sne.s32 s19, $0xF800;
	_ =	swait.ge [sflag:s15], $0x2800  }
.Ltmp0:
0x28: {  	[sflag:s15] =	ssyncset.done $0x0;
	(pc) =	sbr.rel @p0 .LBB2_2-.Ltmp0, $4  }
0x29: {  	s19 =	sadd.s32 $0x4000, s20;
	[sflag:s15] =	ssyncadd.s32 $0xFFFFD800  }
0x2a: {  	[spmem:s1] =	stream.indirect.scatter.add.f32 [tilespmem:s14], [sflag:$0x2], $0x80, s19, s13, $0xb8;
	[tilespmem:$0x1E800] =	vst v63  }
0x2b: {  	_ =	swait.ge [sflag:s11], $0x2800  }
0x2c: {  	s19 =	smov.u32 s21;
	[sflag:s11] =	ssyncset.done $0x0  }
0x2d: {  	s18 =	sshra.s32 s18, $0x2;
	[sflag:s11] =	ssyncadd.s32 $0xFFFFD800  }
0x2e: {  	[tilespmem:s14], [sflag:$0x1] =	stream.indirect.gather [hbm4b:s4+s13], $0x80, s18, s13, $0xb8;
	[tilespmem:$0x1E800] =	vst v63  }
0x2f: {  	_ =	swait.ge [sflag:s15], $0x2800  }
0x30: {  	[sflag:s15] =	ssyncset.done $0x0  }
0x31: {  	s18 =	sadd.s32 $0x4000, s18;
	[sflag:s15] =	ssyncadd.s32 $0xFFFFD800  }
0x32: {  	[spmem:s1] =	stream.indirect.scatter.add.f32 [tilespmem:s14], [sflag:$0x2], $0x80, s18, s13, $0xb8;
	[tilespmem:$0x1E800] =	vst v63  }
0x33: {  	_ =	swait.ge [sflag:s11], $0x2800  }
0x34: {  	s17 =	sadd.s32 $0x1, s17;
	[sflag:s11] =	ssyncset.done $0x0  }
0x35: {  	p0 =	sne.s32 s17, s9;
	[sflag:s11] =	ssyncadd.s32 $0xFFFFD800  }
.Ltmp1:
0x36: {  	[bflag:$0x0] =	sbarrier.arrive $0xFFFF;
	(pc) =	sbr.rel @p0 .LBB2_1-.Ltmp1, $4  }
0x37: {  	[hbm:s16], [sflag:s6] =	dma.local [spmem:s10], $0x2800  }
0x38: {  	_ =	swait.ge [sflag:s11], $0x2800  }
0x39: {  	[sflag:s11] =	ssyncset.done $0x0  }
0x3a: {  	[sflag:s11] =	ssyncadd.s32 $0xFFFFD800  }
0x3b: {  	_ =	sfence.sel $0x180000  }
0x3c: {  	[bflag:$0x0] =	sbarrier.arrive $0xFFFF  }
0x3d: {  	p0 =	sne.s32 s2, $0x0;
	_ =	strace $0x9000004D  }
0x3e: {  	s0 =	sadd.s32 @!p0 $0x100000, s0;
	[bflag:$0x2] =	sbarrier.arrive $0xFFFF  }
0x3f: {  	[sflag:s0] =	ssyncadd.tile.s32 @!p0 $0x1;
	_ =	shalt  }
.Lfunc_end2:
_tile_overlayer_lowered:
.L_overlay_start_2:
0x40: {  	(tag) =	ssettag $0x2  }
0x41: {  	s0 =	rddreg [dreg:$0x0];
	s2 =	stileid.u32  }
0x42: {  	s1 =	rddreg [dreg:$0x1];
	p0 =	sne.s32 s2, $0x0  }
0x43: {  	s3 =	rddreg [dreg:$0x2];
	[bflag:$0x3] =	sbarrier.arrive $0xFFFF;
	s2 =	simm.s32 @!p0 $0x1C02  }
0x44: {  	[timem:s3], [sflag:s2] =	dma.local @!p0 [hbm:s0], s1  }
0x45: {  	s0 =	simm.s32 @!p0 $0x2  }
0x46: {  	_ =	swait.ge @!p0 [sflag:s0], s1  }
0x47: {  	s1 =	ssub.s32 @!p0 $0x0, s1;
	[sflag:s0] =	ssyncset.done @!p0 $0x0  }
0x48: {  	[sflag:s0] =	ssyncadd.s32 @!p0 s1  }
0x49: {  	[bflag:$0x3] =	sbarrier.arrive $0xFFFF  }
0x4a: {  	_ =	shalt  }

// kernel: kernel.19.cloned.1.call-start
scs
__scs_entry_jumppad:
0x0: {  	(pc) =	sbr.rel $0x88, $3  }
0x1: {  	(tag) =	ssettag $0x0;
	lr =	simm.s32 $0x1  }
0x2: {  	[smem:$0x3F96] =	sst lr;
	_ =	strace $0xD0000000  }
0x3: {  	_ = 	snop  }
0x4: {  	_ = 	snop  }
0x5: {  	_ = 	snop  }
0x6: {  	_ = 	snop  }
0x7: {  	_ = 	snop  }
__scs_overlays_trampoline_lowered:
0x8: {  	[smem:$0x3FA5] =	sst s0  }
0x9: {  	[smem:$0x3FA6] =	sst s1  }
0xa: {  	[smem:$0x3FA7] =	sst s2  }
0xb: {  	[smem:$0x3FA8] =	sst s3  }
0xc: {  	[smem:$0x3FA9] =	sst s4  }
0xd: {  	[smem:$0x3FAA] =	sst s5  }
0xe: {  	[smem:$0x3FAB] =	sst s6  }
0xf: {  	[smem:$0x3FAC] =	sst s7  }
0x10: {  	[smem:$0x3FAD] =	sst s8  }
0x11: {  	[smem:$0x3FAE] =	sst s9;
	s0 =	simm.s32 @!p0 $0x0  }
0x12: {  	s1 =	sld [smem:$0x3F94];
	s0 =	simm.s32 @p0 $0x1  }
0x13: {  	[smem:$0x3FAF] =	sst s0;
	s0 =	simm.s32 @!p1 $0x0  }
0x14: {  	s2 =	sld [smem:$0x3F93];
	s0 =	simm.s32 @p1 $0x1  }
0x15: {  	[smem:$0x3FB0] =	sst s0;
	s0 =	simm.s32 @!p2 $0x0  }
0x16: {  	s3 =	sld [smem:$0x3FDB];
	s0 =	simm.s32 @p2 $0x1  }
0x17: {  	s4 =	simm.s32 $0x1BF5;
	[smem:$0x3FB2] =	sst s0  }
0x18: {  	s0 =	sld [smem:$0x3F95];
	_ =	swait.ge [sflag:s4], $0x0  }
0x19: {  	s7 =	sld [smem:$0x3F96]  }
0x1a: {  	s8 =	sadd.s32 $0xFFFFE003, lr  }
0x1b: {  	s9 =	sadd.s32 $0xFFFFFEF7, lr;
	s5 =	simm.s32 $0xFFFFFFFF;
	p2 =	slt.u32 s8, $0xFFFFF086  }
0x1c: {  	p1 =	slt.u32 s9, $0xF7A;
	s5 =	simm.s32 @!p2 $0x0  }
0x1d: {  	s5 =	simm.s32 @p1 $0x1;
	p0 =	seq.s32 s7, s2  }
0x1e: {  	s7 =	smul.u32 @!p0 $0xF7A, s2;
	p2 =	seq.s32 @!p0 s5, $0x0  }
0x1f: {  	s9 =	smul.u32 $0xF7A, s1;
	s8 =	simm.s32 @!p0 $0x1BF5;
	p2 =	por !p2, p0  }
0x20: {  	[sflag:s8] =	ssyncset.s32 @!p0 $0xFFFFF086;
	s6 =	sadd.s32 @!p0 s3, s7;
	s7 =	simm.s32 @!p0 $0x108  }
0x21: {  	s3 =	sadd.s32 s3, s9;
	s6 =	sadd.s32 @!p0 $0x88, s6;
	s7 =	simm.s32 @p2 $0x1082  }
0x22: {  	[simem:s7], [sflag:s8] =	dma.local @!p0 [hbm:s6], $0xF7A  }
0x23: {  	s9 =	sor.u32 $0xD0000000, s2;
	s6 =	simm.s32 $0x108;
	_ =	swait.ge @!p0 [sflag:s8], $0x0  }
0x24: {  	s3 =	sadd.s32 $0x88, s3;
	s6 =	simm.s32 @!p1 $0x1082;
	[sflag:s4] =	ssyncset.s32 $0xFFFFF086  }
0x25: {  	[simem:s6], [sflag:s4] =	dma.local [hbm:s3], $0xF7A  }
0x26: {  	[smem:$0x3F96] =	sst s1;
	(tag) =	ssettag s2;
	_ =	strace s9  }
0x27: {  	s1 =	sld [smem:$0x3FA6]  }
0x28: {  	s2 =	sld [smem:$0x3FA7]  }
0x29: {  	s4 =	sld [smem:$0x3FA9]  }
0x2a: {  	p0 =	seq.s32 s5, $0x0;
	s5 =	sld [smem:$0x3FAA]  }
0x2b: {  	s6 =	sld [smem:$0x3FAB]  }
0x2c: {  	s7 =	sld [smem:$0x3FAC]  }
0x2d: {  	s3 =	simm.s32 $0x108;
	s8 =	sld [smem:$0x3FAD]  }
0x2e: {  	s3 =	simm.s32 @!p0 $0x1082;
	s9 =	sld [smem:$0x3FAE]  }
0x2f: {  	lr =	sadd.s32 s0, s3;
	s0 =	sld [smem:$0x3FA5]  }
0x30: {  	s3 =	sld [smem:$0x3FA8]  }
0x31: {  	[smem:$0x3FB1] =	sst s10  }
0x32: {  	s10 =	sld [smem:$0x3FAF];
	_ =	sdelay $0x3  }
0x33: {  	p0 =	seq.s32 s10, $0x1;
	s10 =	sld [smem:$0x3FB1];
	_ =	sdelay $0x3  }
0x34: {  	[smem:$0x3FB1] =	sst s10  }
0x35: {  	s10 =	sld [smem:$0x3FB0];
	_ =	sdelay $0x3  }
0x36: {  	p1 =	seq.s32 s10, $0x1;
	s10 =	sld [smem:$0x3FB1];
	_ =	sdelay $0x3  }
0x37: {  	[smem:$0x3FB1] =	sst s10  }
0x38: {  	s10 =	sld [smem:$0x3FB2]  }
0x39: {  	_ = 	snop;
	(pc) =	sbr.ind lr, $3  }
0x3a: {  	_ = 	snop  }
0x3b: {  	_ = 	snop  }
0x3c: {  	p2 =	seq.s32 s10, $0x1;
	s10 =	sld [smem:$0x3FB1]  }
0x3d: {  	_ =	shalt  }
0x3e: {  	_ =	shalt  }
0x3f: {  	_ =	shalt  }
0x40: {  	_ =	shalt  }
0x41: {  	_ =	shalt  }
0x42: {  	_ =	shalt  }
0x43: {  	_ =	shalt  }
0x44: {  	_ =	shalt  }
0x45: {  	_ =	shalt  }
0x46: {  	_ =	shalt  }
0x47: {  	_ =	shalt  }
0x48: {  	_ =	shalt  }
0x49: {  	_ =	shalt  }
0x4a: {  	_ =	shalt  }
0x4b: {  	_ =	shalt  }
0x4c: {  	_ =	shalt  }
0x4d: {  	_ =	shalt  }
0x4e: {  	_ =	shalt  }
0x4f: {  	_ =	shalt  }
0x50: {  	_ =	shalt  }
0x51: {  	_ =	shalt  }
0x52: {  	_ =	shalt  }
0x53: {  	_ =	shalt  }
0x54: {  	_ =	shalt  }
0x55: {  	_ =	shalt  }
0x56: {  	_ =	shalt  }
0x57: {  	_ =	shalt  }
0x58: {  	_ =	shalt  }
0x59: {  	_ =	shalt  }
0x5a: {  	_ =	shalt  }
0x5b: {  	_ =	shalt  }
0x5c: {  	_ =	shalt  }
0x5d: {  	_ =	shalt  }
0x5e: {  	_ =	shalt  }
0x5f: {  	_ =	shalt  }
0x60: {  	_ =	shalt  }
0x61: {  	_ =	shalt  }
0x62: {  	_ =	shalt  }
0x63: {  	_ =	shalt  }
0x64: {  	_ =	shalt  }
0x65: {  	_ =	shalt  }
0x66: {  	_ =	shalt  }
0x67: {  	_ =	shalt  }
0x68: {  	_ =	shalt  }
0x69: {  	_ =	shalt  }
0x6a: {  	_ =	shalt  }
0x6b: {  	_ =	shalt  }
0x6c: {  	_ =	shalt  }
0x6d: {  	_ =	shalt  }
0x6e: {  	_ =	shalt  }
0x6f: {  	_ =	shalt  }
0x70: {  	_ =	shalt  }
0x71: {  	_ =	shalt  }
0x72: {  	_ =	shalt  }
0x73: {  	_ =	shalt  }
0x74: {  	_ =	shalt  }
0x75: {  	_ =	shalt  }
0x76: {  	_ =	shalt  }
0x77: {  	_ =	shalt  }
0x78: {  	_ =	shalt  }
0x79: {  	_ =	shalt  }
0x7a: {  	_ =	shalt  }
0x7b: {  	_ =	shalt  }
0x7c: {  	_ =	shalt  }
0x7d: {  	_ =	shalt  }
0x7e: {  	_ =	shalt  }
0x7f: {  	_ =	shalt  }
0x80: {  	_ =	shalt  }
0x81: {  	_ =	shalt  }
0x82: {  	_ =	shalt  }
0x83: {  	_ =	shalt  }
0x84: {  	_ =	shalt  }
0x85: {  	_ =	shalt  }
0x86: {  	_ =	shalt  }
0x87: {  	_ =	shalt  }
.Lfunc_end0:
.L_simem_size_0:
called_computation.3_lowered:
.L_overlay_start_0:
0x88: {  	s2 =	sld [smem:$0x3FD9]  }
0x89: {  	s3 =	sld [smem:$0x3FFE];
	_ =	sdelay $0x1  }
0x8a: {  	s1 =	srdreg.scid  }
0x8b: {  	s0 =	sand.u32 $0x1, s1  }
0x8c: {  	s14 =	sshll.u32 s0, $0xA;
	s2 =	sadd.s32 s3, s2  }
0x8d: {  	s2 =	sadd.s32 s2, s14  }
0x8e: {  	[smem:$0x3FBD] =	sst s2  }
0x8f: {  	_ = 	snop  }
0x90: {  	s2 =	sld [smem:$0x3FD0];
	_ =	sdelay $0x2  }
0x91: {  	s15 =	simm.s32 $0xA;
	s4 =	simm.s32 $0x10  }
0x92: {  	[smem:s4], [sflag:s15] =	dma.local [hbm:s2], $0x1  }
0x93: {  	_ =	swait.eq [sflag:s15], $0x1  }
0x94: {  	[sflag:s15] =	ssyncset.done $0x0  }
0x95: {  	[sflag:s15] =	ssyncadd.s32 $0xFFFFFFFF  }
0x96: {  	s16 =	sld [smem:$0x12];
	(tm) =	ssettm $0x1  }
0x97: {  	s17 =	sld [smem:$0x3FFB];
	_ =	sdelay $0x3  }
0x98: {  	_ =	strace s17  }
0x99: {  	s3 =	sld [smem:$0x3FFC];
	_ =	sdelay $0x3  }
0x9a: {  	_ =	strace s3  }
0x9b: {  	s3 =	sld [smem:$0x3FFD];
	_ =	sdelay $0x3  }
0x9c: {  	_ =	strace s3  }
0x9d: {  	_ =	strace $0x8FFFFFFF  }
0x9e: {  	s18 =	sld [smem:$0x3FDB];
	_ =	sdelay $0x1  }
0x9f: {  	s19 =	simm.s32 $_scs_section_size  }
0xa0: {  	s5 =	simm.s32 $_size__tile_overlayer_lowered;
	s6 =	simm.s32 $_tile_overlayer_lowered  }
0xa1: {  	s22 =	simm.s32 $0x1BFF;
	s21 =	sshll.u32 s6, $0x1;
	s3 =	sadd.s32 s19, s18  }
0xa2: {  	s7 =	simm.s32 $0x0;
	s20 =	sshll.u32 s5, $0x1;
	s5 =	sadd.s32 s21, s3  }
0xa3: {  	[timem:s7], [sflag:s22] =	dma.local [hbm:s5], s20  }
0xa4: {  	_ =	swait.ge [sflag:s22], s20  }
0xa5: {  	s4 =	ssub.s32 $0x0, s20;
	[sflag:s22] =	ssyncset.done $0x0  }
0xa6: {  	[sflag:s22] =	ssyncadd.s32 s4;
	_ =	sdelay $0x1  }
0xa7: {  	s23 =	simm.s32 $0x1B8B  }
0xa8: {  	_ =	swait.ge [sflag:s23], $0x1  }
0xa9: {  	[sflag:s23] =	ssyncset.done $0x0  }
0xaa: {  	s25 =	simm.s32 $0x1B8E;
	s24 =	sld [smem:$0x3FFE];
	[sflag:s23] =	ssyncadd.s32 $0xFFFFFFFF  }
0xab: {  	s26 =	simm.s32 $execute0_lowered;
	[smem:$0x3FD2] =	sst s25  }
0xac: {  	s5 =	sshll.u32 s26, $0x1;
	_ =	strace $0x8000004F;
	[dreg:$0x1] =	wrdreg $0xFFFFFFFF  }
0xad: {  	s28 =	simm.s32 $_size_execute0_lowered;
	s3 =	sadd.s32 s3, s5;
	[dreg:$0x0] =	wrdreg $0x0  }
0xae: {  	s5 =	sshll.u32 s28, $0x1;
	[dreg:$0x2] =	wrdreg s3  }
0xaf: {  	[dreg:$0x3] =	wrdreg s5  }
0xb0: {  	[dreg:$0x4] =	wrdreg $0xC0  }
0xb1: {  	_ =	task [dreg:s7], $0x5FFFF  }
0xb2: {  	[dreg:$0x1] =	wrdreg $0xFFFFFFFF  }
0xb3: {  	[dreg:$0x0] =	wrdreg $0x60  }
0xb4: {  	[dreg:$0x2] =	wrdreg s24  }
0xb5: {  	[dreg:$0x3] =	wrdreg s16  }
0xb6: {  	[dreg:$0x4] =	wrdreg $0xA8000  }
0xb7: {  	[dreg:$0x5] =	wrdreg $0x9  }
0xb8: {  	_ =	task.clear_ibuf [dreg:s7], $0x6FFFF;
	_ =	strace $0x9000004F  }
0xb9: {  	s29 =	simm.s32 $0x9;
	_ =	strace $0x80000051  }
0xba: {  	_ =	swait.ge [sflag:s29], $0x1  }
0xbb: {  	[sflag:s29] =	ssyncadd.s32 $0xFFFFFFFF  }
0xbc: {  	_ =	strace $0x90000051  }
0xbd: {  	_ =	sfence  }
0xbe: {  	s30 =	sld [smem:$0x0];
	_ =	sdelay $0x2  }
0xbf: {  	s31 =	sshll.u32 s1, $0xD;
	s1 =	sshrl.u32 s1, $0x2  }
0xc0: {  	s3 =	sand.u32 $0x4000, s31;
	s1 =	sadd.s32 s1, s30  }
0xc1: {  	s0 =	sor.u32 s3, s0;
	s1 =	sshll.u32 s1, $0x11  }
0xc2: {  	s0 =	sor.u32 s1, s0  }
0xc3: {  	s0 =	sadd.s32 $0x8F2B, s0  }
0xc4: {  	[sflag:s0] =	ssyncadd.remote.s32 $0x1  }
0xc5: {  	_ =	sfence.sel $0xFFFF  }
0xc6: {  	[dreg:$0x0] =	wrdreg $0xFFFFFFFF;
	(pc) =	sbr.abs _section_cstart, $3  }
0xc7: {  	[dreg:$0x1] =	wrdreg $0xFFFFFFFF  }
0xc8: {  	_ =	task.clear_ibuf [dreg:s7], $0x2FFFF;
	_ =	strace $0x9FFFFFFF  }
0xc9: {  	(tm) =	ssettm $0x7FFFFFFF  }
tec
execute0_lowered:
.L_overlay_start_1:
0x0: {  	(tag) =	ssettag $0x1  }
0x1: {  	s6 =	rddreg [dreg:$0x0]  }
0x2: {  	s8 =	rddreg [dreg:$0x1]  }
0x3: {  	s1 =	rddreg [dreg:$0x2]  }
0x4: {  	s0 =	rddreg [dreg:$0x3];
	s3 =	simm.s32 $0x0;
	s4 =	srdreg.scid  }
0x5: {  	s2 =	stileid.u32;
	s14 =	simm.s32 $0x8000;
	s15 =	simm.s32 $0x1  }
0x6: {  	[smem:$0x7FF] =	sst s3;
	s5 =	sand.u32 $0x1, s4;
	s9 =	sshll.u32 s2, $0xB  }
0x7: {  	s4 =	sadd.s32 $0x6400, s6;
	s12 =	smul.u32 $0x50000, s2;
	s31 =	sshll.u32 s2, $0x6  }
0x8: {  	s17 =	smul.u32 $0x2800, s2;
	_ =	strace $0x80000050;
	s7 =	sshll.u32 s5, $0xF  }
0x9: {  	s28 =	smul.u32 $0x28000, s5;
	s11 =	ssub.s32 $0x2, s5;
	s5 =	sadd.s32 $0x3C00, s6  }
0xa: {  	s9 =	sor.u32 s9, s7;
	s29 =	sshrl.u32 s11, $0x1;
	s30 =	sshrl.u32 s12, $0x2  }
0xb: {  	s10 =	sadd.s32 s9, s6;
	s13 =	sadd.s32 s28, s6;
	s11 =	ssub.s32 s11, s29  }
0xc: {  	s12 =	sadd.s32 s30, s1;
	s6 =	sor.u32 $0x1C02, s31;
	s8 =	sadd.s32 s8, s9  }
0xd: {  	s7 =	sadd.s32 $0x56400, s10;
	s16 =	sadd.s32 $0x66400, s13;
	s9 =	smax.u32 s11, $0x1  }
0xe: {  	s10 =	sshrl.u32 s12, $0x3;
	s11 =	simm.s32 $0x2;
	s12 =	simm.s32 $0x4000  }
0xf: {  	s13 =	simm.s32 $0x50;
	s16 =	sadd.s32 s17, s16;
	s17 =	simm.s32 $0x0  }
.LBB2_1:
0x10: {  	[spmem:s10], [sflag:s6] =	dma.local [hbm:s5], $0x2800  }
0x11: {  	_ =	swait.ge [sflag:s11], $0x2800  }
0x12: {  	[sflag:s11] =	ssyncset.done $0x0  }
0x13: {  	[sflag:s11] =	ssyncadd.s32 $0xFFFFD800  }
0x14: {  	[tilespmem:s3], [sflag:$0x2] =	stream.linear.gather [hbm4b:s7+s3], $0x3E80, $0x38;
	[tilespmem:$0x1E800] =	vst v63  }
0x15: {  	_ =	swait.ge [sflag:s11], $0x3E80  }
0x16: {  	[sflag:s11] =	ssyncset.done $0x0  }
0x17: {  	[sflag:s11] =	ssyncadd.s32 $0xFFFFC180  }
0x18: {  	[tilespmem:s12], [sflag:$0x2] =	stream.linear.gather [hbm4b:s8+s3], $0x3E80, $0x38;
	[tilespmem:$0x1E800] =	vst v63  }
0x19: {  	_ =	swait.ge [sflag:s11], $0x3E80  }
0x1a: {  	[sflag:s11] =	ssyncset.done $0x0  }
0x1b: {  	[sflag:s11] =	ssyncadd.s32 $0xFFFFC180  }
0x1c: {  	s18 =	simm.s32 $0x0;
	[bflag:$0x0] =	sbarrier.arrive $0xFFFF  }
0x1d: {  	[tilespmem:s14], [sflag:$0x1] =	stream.indirect.gather [hbm4b:s4+s13], $0x80, s18, s13, $0xb8;
	[tilespmem:$0x1E800] =	vst v63  }
0x1e: {  	_ =	swait.ge [sflag:s15], $0x2800  }
0x1f: {  	[sflag:s15] =	ssyncset.done $0x0  }
0x20: {  	s31 =	simm.s32 $0x4000;
	[sflag:s15] =	ssyncadd.s32 $0xFFFFD800  }
0x21: {  	[spmem:s1] =	stream.indirect.scatter.add.f32 [tilespmem:s14], [sflag:$0x2], $0x80, s31, s13, $0xb8;
	[tilespmem:$0x1E800] =	vst v63  }
0x22: {  	_ =	swait.ge [sflag:s11], $0x2800  }
0x23: {  	s19 =	simm.s32 $0x400;
	s18 =	simm.s32 $0x200;
	[sflag:s11] =	ssyncset.done $0x0  }
.LBB2_2:
0x24: {  	s20 =	sshra.s32 s18, $0x2  }
0x25: {  	[sflag:s11] =	ssyncadd.s32 $0xFFFFD800;
	s18 =	smov.u32 s19;
	s21 =	sadd.s32 $0x200, s19  }
0x26: {  	[tilespmem:s14], [sflag:$0x1] =	stream.indirect.gather [hbm4b:s4+s13], $0x80, s20, s13, $0xb8;
	[tilespmem:$0x1E800] =	vst v63  }
0x27: {  	p0 =	sne.s32 s19, $0xF800;
	_ =	swait.ge [sflag:s15], $0x2800  }
.Ltmp0:
0x28: {  	[sflag:s15] =	ssyncset.done $0x0;
	(pc) =	sbr.rel @p0 .LBB2_2-.Ltmp0, $4  }
0x29: {  	s19 =	sadd.s32 $0x4000, s20;
	[sflag:s15] =	ssyncadd.s32 $0xFFFFD800  }
0x2a: {  	[spmem:s1] =	stream.indirect.scatter.add.f32 [tilespmem:s14], [sflag:$0x2], $0x80, s19, s13, $0xb8;
	[tilespmem:$0x1E800] =	vst v63  }
0x2b: {  	_ =	swait.ge [sflag:s11], $0x2800  }
0x2c: {  	s19 =	smov.u32 s21;
	[sflag:s11] =	ssyncset.done $0x0  }
0x2d: {  	s18 =	sshra.s32 s18, $0x2;
	[sflag:s11] =	ssyncadd.s32 $0xFFFFD800  }
0x2e: {  	[tilespmem:s14], [sflag:$0x1] =	stream.indirect.gather [hbm4b:s4+s13], $0x80, s18, s13, $0xb8;
	[tilespmem:$0x1E800] =	vst v63  }
0x2f: {  	_ =	swait.ge [sflag:s15], $0x2800  }
0x30: {  	[sflag:s15] =	ssyncset.done $0x0  }
0x31: {  	s18 =	sadd.s32 $0x4000, s18;
	[sflag:s15] =	ssyncadd.s32 $0xFFFFD800  }
0x32: {  	[spmem:s1] =	stream.indirect.scatter.add.f32 [tilespmem:s14], [sflag:$0x2], $0x80, s18, s13, $0xb8;
	[tilespmem:$0x1E800] =	vst v63  }
0x33: {  	_ =	swait.ge [sflag:s11], $0x2800  }
0x34: {  	s17 =	sadd.s32 $0x1, s17;
	[sflag:s11] =	ssyncset.done $0x0  }
0x35: {  	p0 =	sne.s32 s17, s9;
	[sflag:s11] =	ssyncadd.s32 $0xFFFFD800  }
.Ltmp1:
0x36: {  	[bflag:$0x0] =	sbarrier.arrive $0xFFFF;
	(pc) =	sbr.rel @p0 .LBB2_1-.Ltmp1, $4  }
0x37: {  	[hbm:s16], [sflag:s6] =	dma.local [spmem:s10], $0x2800  }
0x38: {  	_ =	swait.ge [sflag:s11], $0x2800  }
0x39: {  	[sflag:s11] =	ssyncset.done $0x0  }
0x3a: {  	[sflag:s11] =	ssyncadd.s32 $0xFFFFD800  }
0x3b: {  	_ =	sfence.sel $0x180000  }
0x3c: {  	[bflag:$0x0] =	sbarrier.arrive $0xFFFF  }
0x3d: {  	p0 =	sne.s32 s2, $0x0;
	_ =	strace $0x90000050  }
0x3e: {  	s0 =	sadd.s32 @!p0 $0x100000, s0;
	[bflag:$0x2] =	sbarrier.arrive $0xFFFF  }
0x3f: {  	[sflag:s0] =	ssyncadd.tile.s32 @!p0 $0x1;
	_ =	shalt  }
.Lfunc_end2:
_tile_overlayer_lowered:
.L_overlay_start_2:
0x40: {  	(tag) =	ssettag $0x2  }
0x41: {  	s0 =	rddreg [dreg:$0x0];
	s2 =	stileid.u32  }
0x42: {  	s1 =	rddreg [dreg:$0x1];
	p0 =	sne.s32 s2, $0x0  }
0x43: {  	s3 =	rddreg [dreg:$0x2];
	[bflag:$0x3] =	sbarrier.arrive $0xFFFF;
	s2 =	simm.s32 @!p0 $0x1C02  }
0x44: {  	[timem:s3], [sflag:s2] =	dma.local @!p0 [hbm:s0], s1  }
0x45: {  	s0 =	simm.s32 @!p0 $0x2  }
0x46: {  	_ =	swait.ge @!p0 [sflag:s0], s1  }
0x47: {  	s1 =	ssub.s32 @!p0 $0x0, s1;
	[sflag:s0] =	ssyncset.done @!p0 $0x0  }
0x48: {  	[sflag:s0] =	ssyncadd.s32 @!p0 s1  }
0x49: {  	[bflag:$0x3] =	sbarrier.arrive $0xFFFF  }
0x4a: {  	_ =	shalt  }

</sc_bundles>
